<compile_context>
chip_gen: v7x
topology: tpu7x:2x2x1
jax: 0.10.2.dev20260603
libtpu: 0.0.44.dev20260713+nightly
codegen_flags: <defaults>
</compile_context>

<pallas_src>
import functools

import jax
import jax.numpy as jnp
from jax import lax
from jax.experimental import pallas as pl
from jax.experimental.pallas import tpu as pltpu
from jax.experimental.pallas import tpu_sc as plsc

E = 8
K = 2
D = 768
EP = 128
T = 2048
A = K * T
BM3 = 256
NC = 2
NS = 16
NW = NC * NS
TPW = T // NW



def _cumsum0(x):
    c = x
    s = 1
    n = x.shape[0]
    while s < n:
        shifted = jnp.concatenate(
            [jnp.zeros((s, x.shape[1]), c.dtype), c[:n - s]], axis=0)
        c = c + shifted
        s *= 2
    return c


def _routing_body(x_ref, wg_ref, pos0_ref, pos1_ref, w0b_ref, w1b_ref,
                  offs_ref):
    logits = jnp.dot(x_ref[...], wg_ref[...],
                     preferred_element_type=jnp.float32)
    lane = lax.broadcasted_iota(jnp.int32, logits.shape, 1)
    logits = jnp.where(lane < E, logits, -1e30)

    v0 = jnp.max(logits, axis=1, keepdims=True)
    a0 = jnp.min(jnp.where(logits == v0, lane, EP), axis=1, keepdims=True)
    logits2 = jnp.where(lane == a0, -1e30, logits)
    v1 = jnp.max(logits2, axis=1, keepdims=True)
    a1 = jnp.min(jnp.where(logits2 == v1, lane, EP), axis=1, keepdims=True)

    w0 = 1.0 / (1.0 + jnp.exp(v1 - v0))
    w1 = 1.0 - w0

    oh0 = (lane == a0).astype(jnp.int32)
    oh1 = (lane == a1).astype(jnp.int32)
    c0 = _cumsum0(oh0)
    c1 = _cumsum0(oh1)
    cnt0 = c0[T - 1:T, :]
    cnt1 = c1[T - 1:T, :]
    cnt = cnt0 + cnt1

    offs = jnp.concatenate(
        [jnp.zeros((1, 1), jnp.int32), cnt[:, :EP - 1]], axis=1)
    s = 1
    while s < EP:
        offs = offs + jnp.concatenate(
            [jnp.zeros((1, s), jnp.int32), offs[:, :EP - s]], axis=1)
        s *= 2

    pos0 = jnp.sum(oh0 * (offs + c0 - 1), axis=1, keepdims=True)
    pos1 = jnp.sum(oh1 * (offs + cnt0 + c1 - 1), axis=1, keepdims=True)

    pos0_ref[...] = pos0
    pos1_ref[...] = pos1
    w0b_ref[...] = jnp.broadcast_to(w0, (T, 16))
    w1b_ref[...] = jnp.broadcast_to(w1, (T, 16))
    offs_ref[...] = offs


def _routing(xs, wg_pad):
    return pl.pallas_call(
        _routing_body,
        grid=(1,),
        in_specs=[
            pl.BlockSpec((T, D), lambda i: (0, 0)),
            pl.BlockSpec((D, EP), lambda i: (0, 0)),
        ],
        out_specs=[
            pl.BlockSpec((T, 1), lambda i: (0, 0)),
            pl.BlockSpec((T, 1), lambda i: (0, 0)),
            pl.BlockSpec((T, 16), lambda i: (0, 0)),
            pl.BlockSpec((T, 16), lambda i: (0, 0)),
            pl.BlockSpec((1, EP), lambda i: (0, 0)),
        ],
        out_shape=[
            jax.ShapeDtypeStruct((T, 1), jnp.int32),
            jax.ShapeDtypeStruct((T, 1), jnp.int32),
            jax.ShapeDtypeStruct((T, 16), jnp.float32),
            jax.ShapeDtypeStruct((T, 16), jnp.float32),
            jax.ShapeDtypeStruct((1, EP), jnp.int32),
        ],
    )(xs, wg_pad)



def _dispatch_body(xs_hbm, pos0_hbm, pos1_hbm, xg_hbm,
                   idx0, idx1, rows, s0, s1):
    wid = lax.axis_index("s") * NC + lax.axis_index("c")
    base = wid * TPW
    pltpu.sync_copy(pos0_hbm.at[pl.ds(base, TPW)], idx0)
    pltpu.sync_copy(pos1_hbm.at[pl.ds(base, TPW)], idx1)
    pltpu.sync_copy(xs_hbm.at[pl.ds(base, TPW)], rows)
    cp0 = pltpu.async_copy(rows, xg_hbm.at[idx0], s0)
    cp1 = pltpu.async_copy(rows, xg_hbm.at[idx1], s1)
    cp0.wait()
    cp1.wait()


@functools.lru_cache(maxsize=None)
def _make_dispatch():
    return pl.kernel(
        _dispatch_body,
        out_type=jax.ShapeDtypeStruct((A, D), jnp.float32),
        mesh=plsc.VectorSubcoreMesh(core_axis_name="c",
                                    subcore_axis_name="s"),
        scratch_types=[
            pltpu.VMEM((TPW,), jnp.int32),
            pltpu.VMEM((TPW,), jnp.int32),
            pltpu.VMEM((TPW, D), jnp.float32),
            pltpu.SemaphoreType.DMA,
            pltpu.SemaphoreType.DMA,
        ],
    )



def _gmm_body(offs_ref, xg_ref, we_ref, be_ref, y_ref):
    g = pl.program_id(0)
    r0 = g * BM3
    riota = lax.broadcasted_iota(jnp.int32, (BM3, 1), 0) + r0
    y_ref[...] = jnp.zeros((BM3, D), jnp.float32)
    for e in range(E):
        s = offs_ref[e]
        t = offs_ref[e + 1]

        @pl.when((t > r0) & (s < r0 + BM3))
        def _expert(e=e, s=s, t=t):
            m = (riota >= s) & (riota < t)
            y_ref[...] += jnp.where(m, 1.0, 0.0) * (
                jnp.dot(xg_ref[...], we_ref[e],
                        preferred_element_type=jnp.float32)
                + be_ref[e][None, :])


def _grouped_matmul(offs_flat, Xg, We, be):
    grid_spec = pltpu.PrefetchScalarGridSpec(
        num_scalar_prefetch=1,
        grid=(A // BM3,),
        in_specs=[
            pl.BlockSpec((BM3, D), lambda g, offs: (g, 0)),
            pl.BlockSpec((E, D, D), lambda g, offs: (0, 0, 0)),
            pl.BlockSpec((E, D), lambda g, offs: (0, 0)),
        ],
        out_specs=pl.BlockSpec((BM3, D), lambda g, offs: (g, 0)),
    )
    return pl.pallas_call(
        _gmm_body,
        grid_spec=grid_spec,
        out_shape=jax.ShapeDtypeStruct((A, D), jnp.float32),
    )(offs_flat, Xg, We, be)



def _combine_body(y_hbm, pos0_hbm, pos1_hbm, w0b_hbm, w1b_hbm, out_hbm,
                  idx0, idx1, rowsA, rowsB, wv0, wv1, s0, s1):
    wid = lax.axis_index("s") * NC + lax.axis_index("c")
    base = wid * TPW
    pltpu.sync_copy(pos0_hbm.at[pl.ds(base, TPW)], idx0)
    pltpu.sync_copy(pos1_hbm.at[pl.ds(base, TPW)], idx1)
    pltpu.sync_copy(w0b_hbm.at[pl.ds(base, TPW)], wv0)
    pltpu.sync_copy(w1b_hbm.at[pl.ds(base, TPW)], wv1)
    cpA = pltpu.async_copy(y_hbm.at[idx0], rowsA, s0)
    cpB = pltpu.async_copy(y_hbm.at[idx1], rowsB, s1)
    cpA.wait()
    cpB.wait()

    def row_body(r, _):
        w0v = wv0[r, :]
        w1v = wv1[r, :]

        def col_body(c, _):
            col = c * 16
            rowsA[r, pl.ds(col, 16)] = (
                rowsA[r, pl.ds(col, 16)] * w0v
                + rowsB[r, pl.ds(col, 16)] * w1v)
            return 0

        lax.fori_loop(0, D // 16, col_body, 0)
        return 0

    lax.fori_loop(0, TPW, row_body, 0)
    pltpu.sync_copy(rowsA, out_hbm.at[pl.ds(base, TPW)])


@functools.lru_cache(maxsize=None)
def _make_combine():
    return pl.kernel(
        _combine_body,
        out_type=jax.ShapeDtypeStruct((T, D), jnp.float32),
        mesh=plsc.VectorSubcoreMesh(core_axis_name="c",
                                    subcore_axis_name="s"),
        scratch_types=[
            pltpu.VMEM((TPW,), jnp.int32),
            pltpu.VMEM((TPW,), jnp.int32),
            pltpu.VMEM((TPW, D), jnp.float32),
            pltpu.VMEM((TPW, D), jnp.float32),
            pltpu.VMEM((TPW, 16), jnp.float32),
            pltpu.VMEM((TPW, 16), jnp.float32),
            pltpu.SemaphoreType.DMA,
            pltpu.SemaphoreType.DMA,
        ],
    )



@jax.jit
def _moe(xs, wg_pad, We, be):
    pos0, pos1, w0b, w1b, offs = _routing(xs, wg_pad)
    pos0v = pos0.reshape(T)
    pos1v = pos1.reshape(T)
    Xg = _make_dispatch()(xs, pos0v, pos1v)
    Y = _grouped_matmul(offs.reshape(EP), Xg, We, be)
    return _make_combine()(Y, pos0v, pos1v, w0b, w1b)


def kernel(x, Wg, We, be):
    xs = x.reshape(-1, x.shape[-1])
    wg_pad = jnp.pad(Wg, ((0, 0), (0, EP - Wg.shape[1])))
    out = _moe(xs, wg_pad, We, be)
    return out.reshape(x.shape)

# --- scband reference (transcript-rebuilt; emitter-appended) ---
"""Pipeline reference for scband-moelayer-19327352832435 (READ-ONLY COPY).

The authoritative reference and input builder live on the scoring server;
editing this copy changes nothing except your own understanding.
"""

import jax, jax.numpy as jnp
import numpy as np

E = 8      # number of experts
K = 2      # top-k
D = 768    # d_model
B = 1      # batch
S = 2048   # seq_len


def setup_inputs(seed: int = 0) -> dict:
    key = jax.random.key(seed)
    k0, k1, k2 = jax.random.split(key, 3)
    x = jax.random.normal(k0, (B, S, D), dtype=jnp.float32)
    # gate: Linear(D, E, bias=False)
    Wg = jax.random.normal(k1, (D, E), dtype=jnp.float32) * (1.0 / np.sqrt(D))
    # experts: E x Linear(D, D) with bias
    We = jax.random.normal(k2, (E, D, D), dtype=jnp.float32) * (1.0 / np.sqrt(D))
    be = jnp.zeros((E, D), dtype=jnp.float32)
    return {"x": x, "Wg": Wg, "We": We, "be": be}


def reference(x, Wg, We, be):
    # input_squashed = input.view(-1, d_model)
    xs = x.reshape(-1, x.shape[-1])                      # [T, D]
    # gate_logits = self.gate(input_squashed)
    gate_logits = xs @ Wg                                # [T, E]
    # weights, selected_experts = torch.topk(gate_logits, k, dim=1)
    weights, selected_experts = jax.lax.top_k(gate_logits, K)   # [T, K]
    # weights = softmax(weights, dim=1, dtype=float).type_as(input)
    weights = jax.nn.softmax(weights.astype(jnp.float32), axis=1).astype(x.dtype)
    results = jnp.zeros_like(xs)
    # per-expert masked compute: mathematically identical to the torch
    # gather/scatter loop (tokens not routed to expert i get weight 0)
    for i in range(E):
        mask = (selected_experts == i)                   # [T, K]
        w_i = jnp.sum(jnp.where(mask, weights, jnp.zeros_like(weights)), axis=1)  # [T]
        expert_out = xs @ We[i] + be[i]                  # [T, D]
        results = results + w_i[:, None] * expert_out
    return results.reshape(x.shape)

if __name__ == "__main__":
    import jax
    _d = setup_inputs()
    print(jax.jit(kernel)(*tuple(_d.values())))

</pallas_src>

<mosaic_0001>
#map = affine_map<(d0, d1) -> (0, 0)>
#map1 = affine_map<(d0, d1) -> (0)>
module attributes {stable_mosaic.version = 14 : i64} {
  func.func @_combine_body(%arg0: i32, %arg1: i32, %arg2: memref<4096x768xf32, #tpu.memory_space<hbm>>, %arg3: memref<2048xi32, #tpu.memory_space<hbm>>, %arg4: memref<2048xi32, #tpu.memory_space<hbm>>, %arg5: memref<2048x16xf32, #tpu.memory_space<hbm>>, %arg6: memref<2048x16xf32, #tpu.memory_space<hbm>>, %arg7: memref<2048x768xf32, #tpu.memory_space<hbm>>, %arg8: memref<64xi32, #tpu.memory_space<vmem>>, %arg9: memref<64xi32, #tpu.memory_space<vmem>>, %arg10: memref<64x768xf32, #tpu.memory_space<vmem>>, %arg11: memref<64x768xf32, #tpu.memory_space<vmem>>, %arg12: memref<64x16xf32, #tpu.memory_space<vmem>>, %arg13: memref<64x16xf32, #tpu.memory_space<vmem>>, %arg14: memref<!tpu.dma_semaphore, #tpu.memory_space<semaphore_mem>>, %arg15: memref<!tpu.dma_semaphore, #tpu.memory_space<semaphore_mem>>) attributes {dimension_semantics = [#tpu.dimension_semantics<core_parallel>, #tpu.dimension_semantics<subcore_parallel>], iteration_bounds = array<i64: 2, 16>, scalar_prefetch = 0 : i64, scratch_operands = 8 : i64, tpu.core_type = #tpu.core_type<sc_vector_subcore>, window_params = [{transform_indices = #map}, {transform_indices = #map1}, {transform_indices = #map1}, {transform_indices = #map}, {transform_indices = #map}, {transform_indices = #map}]} {
    %mul3A = arith.constant 2 : i32
    %mul3A_0 = arith.muli %arg1, %mul3A : i32
    %add3A = arith.addi %mul3A_0, %arg0 : i32
    %mul3A_1 = arith.constant 64 : i32
    %mul3A_2 = arith.muli %add3A, %mul3A_1 : i32
    "tpu.region"() ({
      %run_scoped3A = tpu.sem_alloc : memref<!tpu.dma_semaphore, #tpu.memory_space<semaphore_mem>>
      %dma_start3A_19 = tpu.memref_slice %arg3[%mul3A_2] : memref<2048xi32, #tpu.memory_space<hbm>> -> memref<64xi32, #tpu.memory_space<hbm>>
      %dma_start3A_20 = tpu.memref_slice %arg3[%mul3A_2] : memref<2048xi32, #tpu.memory_space<hbm>> -> memref<64xi32, #tpu.memory_space<hbm>>
      tpu.enqueue_dma source(%dma_start3A_20 : memref<64xi32, #tpu.memory_space<hbm>>) target(%arg8 : memref<64xi32, #tpu.memory_space<vmem>>) target_semaphore(%run_scoped3A : memref<!tpu.dma_semaphore, #tpu.memory_space<semaphore_mem>>)
      %dma_wait3A_21 = tpu.memref_slice %arg3[%mul3A_2] : memref<2048xi32, #tpu.memory_space<hbm>> -> memref<64xi32, #tpu.memory_space<hbm>>
      %dma_wait3A_22 = tpu.memref_slice %arg3[%mul3A_2] : memref<2048xi32, #tpu.memory_space<hbm>> -> memref<64xi32, #tpu.memory_space<hbm>>
      tpu.wait_dma2 semaphore(%run_scoped3A : memref<!tpu.dma_semaphore, #tpu.memory_space<semaphore_mem>>) src(%dma_wait3A_22 : memref<64xi32, #tpu.memory_space<hbm>>) dst(%arg8 : memref<64xi32, #tpu.memory_space<vmem>>)
      tpu.yield
    }) : () -> ()
    "tpu.region"() ({
      %run_scoped3A = tpu.sem_alloc : memref<!tpu.dma_semaphore, #tpu.memory_space<semaphore_mem>>
      %dma_start3A_19 = tpu.memref_slice %arg4[%mul3A_2] : memref<2048xi32, #tpu.memory_space<hbm>> -> memref<64xi32, #tpu.memory_space<hbm>>
      %dma_start3A_20 = tpu.memref_slice %arg4[%mul3A_2] : memref<2048xi32, #tpu.memory_space<hbm>> -> memref<64xi32, #tpu.memory_space<hbm>>
      tpu.enqueue_dma source(%dma_start3A_20 : memref<64xi32, #tpu.memory_space<hbm>>) target(%arg9 : memref<64xi32, #tpu.memory_space<vmem>>) target_semaphore(%run_scoped3A : memref<!tpu.dma_semaphore, #tpu.memory_space<semaphore_mem>>)
      %dma_wait3A_21 = tpu.memref_slice %arg4[%mul3A_2] : memref<2048xi32, #tpu.memory_space<hbm>> -> memref<64xi32, #tpu.memory_space<hbm>>
      %dma_wait3A_22 = tpu.memref_slice %arg4[%mul3A_2] : memref<2048xi32, #tpu.memory_space<hbm>> -> memref<64xi32, #tpu.memory_space<hbm>>
      tpu.wait_dma2 semaphore(%run_scoped3A : memref<!tpu.dma_semaphore, #tpu.memory_space<semaphore_mem>>) src(%dma_wait3A_22 : memref<64xi32, #tpu.memory_space<hbm>>) dst(%arg9 : memref<64xi32, #tpu.memory_space<vmem>>)
      tpu.yield
    }) : () -> ()
    "tpu.region"() ({
      %run_scoped3A = tpu.sem_alloc : memref<!tpu.dma_semaphore, #tpu.memory_space<semaphore_mem>>
      %dma_start3A_19 = arith.constant 0 : i32
      %dma_start3A_20 = tpu.memref_slice %arg5[%mul3A_2, %dma_start3A_19] : memref<2048x16xf32, #tpu.memory_space<hbm>> -> memref<64x16xf32, #tpu.memory_space<hbm>>
      %dma_start3A_21 = arith.constant 0 : i32
      %dma_start3A_22 = tpu.memref_slice %arg5[%mul3A_2, %dma_start3A_21] : memref<2048x16xf32, #tpu.memory_space<hbm>> -> memref<64x16xf32, #tpu.memory_space<hbm>>
      tpu.enqueue_dma source(%dma_start3A_22 : memref<64x16xf32, #tpu.memory_space<hbm>>) target(%arg12 : memref<64x16xf32, #tpu.memory_space<vmem>>) target_semaphore(%run_scoped3A : memref<!tpu.dma_semaphore, #tpu.memory_space<semaphore_mem>>)
      %dma_wait3A_23 = arith.constant 0 : i32
      %dma_wait3A_24 = tpu.memref_slice %arg5[%mul3A_2, %dma_wait3A_23] : memref<2048x16xf32, #tpu.memory_space<hbm>> -> memref<64x16xf32, #tpu.memory_space<hbm>>
      %dma_wait3A_25 = arith.constant 0 : i32
      %dma_wait3A_26 = tpu.memref_slice %arg5[%mul3A_2, %dma_wait3A_25] : memref<2048x16xf32, #tpu.memory_space<hbm>> -> memref<64x16xf32, #tpu.memory_space<hbm>>
      tpu.wait_dma2 semaphore(%run_scoped3A : memref<!tpu.dma_semaphore, #tpu.memory_space<semaphore_mem>>) src(%dma_wait3A_26 : memref<64x16xf32, #tpu.memory_space<hbm>>) dst(%arg12 : memref<64x16xf32, #tpu.memory_space<vmem>>)
      tpu.yield
    }) : () -> ()
    "tpu.region"() ({
      %run_scoped3A = tpu.sem_alloc : memref<!tpu.dma_semaphore, #tpu.memory_space<semaphore_mem>>
      %dma_start3A_19 = arith.constant 0 : i32
      %dma_start3A_20 = tpu.memref_slice %arg6[%mul3A_2, %dma_start3A_19] : memref<2048x16xf32, #tpu.memory_space<hbm>> -> memref<64x16xf32, #tpu.memory_space<hbm>>
      %dma_start3A_21 = arith.constant 0 : i32
      %dma_start3A_22 = tpu.memref_slice %arg6[%mul3A_2, %dma_start3A_21] : memref<2048x16xf32, #tpu.memory_space<hbm>> -> memref<64x16xf32, #tpu.memory_space<hbm>>
      tpu.enqueue_dma source(%dma_start3A_22 : memref<64x16xf32, #tpu.memory_space<hbm>>) target(%arg13 : memref<64x16xf32, #tpu.memory_space<vmem>>) target_semaphore(%run_scoped3A : memref<!tpu.dma_semaphore, #tpu.memory_space<semaphore_mem>>)
      %dma_wait3A_23 = arith.constant 0 : i32
      %dma_wait3A_24 = tpu.memref_slice %arg6[%mul3A_2, %dma_wait3A_23] : memref<2048x16xf32, #tpu.memory_space<hbm>> -> memref<64x16xf32, #tpu.memory_space<hbm>>
      %dma_wait3A_25 = arith.constant 0 : i32
      %dma_wait3A_26 = tpu.memref_slice %arg6[%mul3A_2, %dma_wait3A_25] : memref<2048x16xf32, #tpu.memory_space<hbm>> -> memref<64x16xf32, #tpu.memory_space<hbm>>
      tpu.wait_dma2 semaphore(%run_scoped3A : memref<!tpu.dma_semaphore, #tpu.memory_space<semaphore_mem>>) src(%dma_wait3A_26 : memref<64x16xf32, #tpu.memory_space<hbm>>) dst(%arg13 : memref<64x16xf32, #tpu.memory_space<vmem>>)
      tpu.yield
    }) : () -> ()
    %dma_start3A = arith.constant 0 : i32
    %dma_start3A_3 = arith.constant 0 : i32
    %dma_start3A_4 = tpu.memref_slice %arg2[%dma_start3A, %dma_start3A_3] : memref<4096x768xf32, #tpu.memory_space<hbm>> -> memref<4096x768xf32, #tpu.memory_space<hbm>>
    tpu.enqueue_indirect_dma source(%dma_start3A_4 : memref<4096x768xf32, #tpu.memory_space<hbm>>) target(%arg10 : memref<64x768xf32, #tpu.memory_space<vmem>>) offsets(%arg8 : memref<64xi32, #tpu.memory_space<vmem>>) semaphore(%arg14 : memref<!tpu.dma_semaphore, #tpu.memory_space<semaphore_mem>>)
    %dma_start3A_5 = arith.constant 0 : i32
    %dma_start3A_6 = arith.constant 0 : i32
    %dma_start3A_7 = tpu.memref_slice %arg2[%dma_start3A_5, %dma_start3A_6] : memref<4096x768xf32, #tpu.memory_space<hbm>> -> memref<4096x768xf32, #tpu.memory_space<hbm>>
    tpu.enqueue_indirect_dma source(%dma_start3A_7 : memref<4096x768xf32, #tpu.memory_space<hbm>>) target(%arg11 : memref<64x768xf32, #tpu.memory_space<vmem>>) offsets(%arg9 : memref<64xi32, #tpu.memory_space<vmem>>) semaphore(%arg15 : memref<!tpu.dma_semaphore, #tpu.memory_space<semaphore_mem>>)
    %dma_wait3A = arith.constant 0 : i32
    %dma_wait3A_8 = arith.constant 0 : i32
    %dma_wait3A_9 = tpu.memref_slice %arg2[%dma_wait3A, %dma_wait3A_8] : memref<4096x768xf32, #tpu.memory_space<hbm>> -> memref<4096x768xf32, #tpu.memory_space<hbm>>
    tpu.wait_indirect_dma semaphore(%arg14 : memref<!tpu.dma_semaphore, #tpu.memory_space<semaphore_mem>>) src(%dma_wait3A_9 : memref<4096x768xf32, #tpu.memory_space<hbm>>) dst(%arg10 : memref<64x768xf32, #tpu.memory_space<vmem>>)
    %dma_wait3A_10 = arith.constant 0 : i32
    %dma_wait3A_11 = arith.constant 0 : i32
    %dma_wait3A_12 = tpu.memref_slice %arg2[%dma_wait3A_10, %dma_wait3A_11] : memref<4096x768xf32, #tpu.memory_space<hbm>> -> memref<4096x768xf32, #tpu.memory_space<hbm>>
    tpu.wait_indirect_dma semaphore(%arg15 : memref<!tpu.dma_semaphore, #tpu.memory_space<semaphore_mem>>) src(%dma_wait3A_12 : memref<4096x768xf32, #tpu.memory_space<hbm>>) dst(%arg11 : memref<64x768xf32, #tpu.memory_space<vmem>>)
    %scan3A = arith.constant 0 : i32
    %scan3A_13 = arith.constant 0 : i32
    %scan3A_14 = arith.constant 64 : i32
    %scan3A_15 = arith.addi %scan3A_13, %scan3A_14 : i32
    %scan3A_16 = arith.constant 1 : i32
    %scan3A_17 = scf.for %scan3A_19 = %scan3A_13 to %scan3A_15 step %scan3A_16 iter_args(%scan3A_20 = %scan3A) -> (i32)  : i32 {
      %get3A = arith.index_cast %scan3A_19 : i32 to index
      %get3A_21 = arith.constant 0 : index
      %get3A_22 = tpu.vector_load %arg12[%get3A, %get3A_21] {strides = array<i32>} : memref<64x16xf32, #tpu.memory_space<vmem>>, vector<1x16xf32>,
      %get3A_23 = vector.shape_cast %get3A_22 : vector<1x16xf32> to vector<16xf32>
      %get3A_24 = arith.index_cast %scan3A_19 : i32 to index
      %get3A_25 = arith.constant 0 : index
      %get3A_26 = tpu.vector_load %arg13[%get3A_24, %get3A_25] {strides = array<i32>} : memref<64x16xf32, #tpu.memory_space<vmem>>, vector<1x16xf32>,
      %get3A_27 = vector.shape_cast %get3A_26 : vector<1x16xf32> to vector<16xf32>
      %scan3A_28 = arith.constant 0 : i32
      %scan3A_29 = arith.constant 0 : i32
      %scan3A_30 = arith.constant 48 : i32
      %scan3A_31 = arith.addi %scan3A_29, %scan3A_30 : i32
      %scan3A_32 = arith.constant 1 : i32
      %scan3A_33 = scf.for %scan3A_36 = %scan3A_29 to %scan3A_31 step %scan3A_32 iter_args(%scan3A_37 = %scan3A_28) -> (i32)  : i32 {
        %mul3A_38 = arith.constant 16 : i32
        %mul3A_39 = arith.muli %scan3A_36, %mul3A_38 : i32
        %get3A_40 = arith.index_cast %scan3A_19 : i32 to index
        %get3A_41 = arith.index_cast %mul3A_39 : i32 to index
        %get3A_42 = tpu.vector_load %arg10[%get3A_40, %get3A_41] {strides = array<i32>} : memref<64x768xf32, #tpu.memory_space<vmem>>, vector<1x16xf32>,
        %get3A_43 = vector.shape_cast %get3A_42 : vector<1x16xf32> to vector<16xf32>
        %mul3A_44 = arith.mulf %get3A_43, %get3A_23 : vector<16xf32>
        %get3A_45 = arith.index_cast %scan3A_19 : i32 to index
        %get3A_46 = arith.index_cast %mul3A_39 : i32 to index
        %get3A_47 = tpu.vector_load %arg11[%get3A_45, %get3A_46] {strides = array<i32>} : memref<64x768xf32, #tpu.memory_space<vmem>>, vector<1x16xf32>,
        %get3A_48 = vector.shape_cast %get3A_47 : vector<1x16xf32> to vector<16xf32>
        %mul3A_49 = arith.mulf %get3A_48, %get3A_27 : vector<16xf32>
        %add3A_50 = arith.addf %mul3A_44, %mul3A_49 : vector<16xf32>
        %swap3A = arith.index_cast %scan3A_19 : i32 to index
        %swap3A_51 = arith.index_cast %mul3A_39 : i32 to index
        %swap3A_52 = tpu.vector_load %arg10[%swap3A, %swap3A_51] {strides = array<i32>} : memref<64x768xf32, #tpu.memory_space<vmem>>, vector<1x16xf32>,
        %swap3A_53 = vector.shape_cast %swap3A_52 : vector<1x16xf32> to vector<16xf32>
        %swap3A_54 = vector.shape_cast %add3A_50 : vector<16xf32> to vector<1x16xf32>
        tpu.vector_store %arg10[%swap3A, %swap3A_51], %swap3A_54 {strides = array<i32>} : memref<64x768xf32, #tpu.memory_space<vmem>>, vector<1x16xf32>,
        %scan3A_55 = arith.constant 0 : i32
        scf.yield %scan3A_55 : i32
      }
      %scan3A_34 = arith.constant 48 : i32
      %scan3A_35 = arith.constant 0 : i32
      scf.yield %scan3A_35 : i32
    }
    %scan3A_18 = arith.constant 64 : i32
    "tpu.region"() ({
      %run_scoped3A = tpu.sem_alloc : memref<!tpu.dma_semaphore, #tpu.memory_space<semaphore_mem>>
      %dma_start3A_19 = arith.constant 0 : i32
      %dma_start3A_20 = tpu.memref_slice %arg7[%mul3A_2, %dma_start3A_19] : memref<2048x768xf32, #tpu.memory_space<hbm>> -> memref<64x768xf32, #tpu.memory_space<hbm>>
      %dma_start3A_21 = arith.constant 0 : i32
      %dma_start3A_22 = tpu.memref_slice %arg7[%mul3A_2, %dma_start3A_21] : memref<2048x768xf32, #tpu.memory_space<hbm>> -> memref<64x768xf32, #tpu.memory_space<hbm>>
      tpu.enqueue_dma source(%arg10 : memref<64x768xf32, #tpu.memory_space<vmem>>) target(%dma_start3A_22 : memref<64x768xf32, #tpu.memory_space<hbm>>) target_semaphore(%run_scoped3A : memref<!tpu.dma_semaphore, #tpu.memory_space<semaphore_mem>>)
      %dma_wait3A_23 = arith.constant 0 : i32
      %dma_wait3A_24 = tpu.memref_slice %arg7[%mul3A_2, %dma_wait3A_23] : memref<2048x768xf32, #tpu.memory_space<hbm>> -> memref<64x768xf32, #tpu.memory_space<hbm>>
      %dma_wait3A_25 = arith.constant 0 : i32
      %dma_wait3A_26 = tpu.memref_slice %arg7[%mul3A_2, %dma_wait3A_25] : memref<2048x768xf32, #tpu.memory_space<hbm>> -> memref<64x768xf32, #tpu.memory_space<hbm>>
      tpu.wait_dma2 semaphore(%run_scoped3A : memref<!tpu.dma_semaphore, #tpu.memory_space<semaphore_mem>>) src(%arg10 : memref<64x768xf32, #tpu.memory_space<vmem>>) dst(%dma_wait3A_26 : memref<64x768xf32, #tpu.memory_space<hbm>>)
      tpu.yield
    }) : () -> ()
    return
  }
}

#map = affine_map<(d0, d1) -> (0, 0)>
#map1 = affine_map<(d0, d1) -> (0)>
module attributes {stable_mosaic.version = 14 : i64} {
  func.func @_dispatch_body(%arg0: i32, %arg1: i32, %arg2: memref<2048x768xf32, #tpu.memory_space<hbm>>, %arg3: memref<2048xi32, #tpu.memory_space<hbm>>, %arg4: memref<2048xi32, #tpu.memory_space<hbm>>, %arg5: memref<4096x768xf32, #tpu.memory_space<hbm>>, %arg6: memref<64xi32, #tpu.memory_space<vmem>>, %arg7: memref<64xi32, #tpu.memory_space<vmem>>, %arg8: memref<64x768xf32, #tpu.memory_space<vmem>>, %arg9: memref<!tpu.dma_semaphore, #tpu.memory_space<semaphore_mem>>, %arg10: memref<!tpu.dma_semaphore, #tpu.memory_space<semaphore_mem>>) attributes {dimension_semantics = [#tpu.dimension_semantics<core_parallel>, #tpu.dimension_semantics<subcore_parallel>], iteration_bounds = array<i64: 2, 16>, scalar_prefetch = 0 : i64, scratch_operands = 5 : i64, tpu.core_type = #tpu.core_type<sc_vector_subcore>, window_params = [{transform_indices = #map}, {transform_indices = #map1}, {transform_indices = #map1}, {transform_indices = #map}]} {
    %mul3A = arith.constant 2 : i32
    %mul3A_0 = arith.muli %arg1, %mul3A : i32
    %add3A = arith.addi %mul3A_0, %arg0 : i32
    %mul3A_1 = arith.constant 64 : i32
    %mul3A_2 = arith.muli %add3A, %mul3A_1 : i32
    "tpu.region"() ({
      %run_scoped3A = tpu.sem_alloc : memref<!tpu.dma_semaphore, #tpu.memory_space<semaphore_mem>>
      %dma_start3A_13 = tpu.memref_slice %arg3[%mul3A_2] : memref<2048xi32, #tpu.memory_space<hbm>> -> memref<64xi32, #tpu.memory_space<hbm>>
      %dma_start3A_14 = tpu.memref_slice %arg3[%mul3A_2] : memref<2048xi32, #tpu.memory_space<hbm>> -> memref<64xi32, #tpu.memory_space<hbm>>
      tpu.enqueue_dma source(%dma_start3A_14 : memref<64xi32, #tpu.memory_space<hbm>>) target(%arg6 : memref<64xi32, #tpu.memory_space<vmem>>) target_semaphore(%run_scoped3A : memref<!tpu.dma_semaphore, #tpu.memory_space<semaphore_mem>>)
      %dma_wait3A_15 = tpu.memref_slice %arg3[%mul3A_2] : memref<2048xi32, #tpu.memory_space<hbm>> -> memref<64xi32, #tpu.memory_space<hbm>>
      %dma_wait3A_16 = tpu.memref_slice %arg3[%mul3A_2] : memref<2048xi32, #tpu.memory_space<hbm>> -> memref<64xi32, #tpu.memory_space<hbm>>
      tpu.wait_dma2 semaphore(%run_scoped3A : memref<!tpu.dma_semaphore, #tpu.memory_space<semaphore_mem>>) src(%dma_wait3A_16 : memref<64xi32, #tpu.memory_space<hbm>>) dst(%arg6 : memref<64xi32, #tpu.memory_space<vmem>>)
      tpu.yield
    }) : () -> ()
    "tpu.region"() ({
      %run_scoped3A = tpu.sem_alloc : memref<!tpu.dma_semaphore, #tpu.memory_space<semaphore_mem>>
      %dma_start3A_13 = tpu.memref_slice %arg4[%mul3A_2] : memref<2048xi32, #tpu.memory_space<hbm>> -> memref<64xi32, #tpu.memory_space<hbm>>
      %dma_start3A_14 = tpu.memref_slice %arg4[%mul3A_2] : memref<2048xi32, #tpu.memory_space<hbm>> -> memref<64xi32, #tpu.memory_space<hbm>>
      tpu.enqueue_dma source(%dma_start3A_14 : memref<64xi32, #tpu.memory_space<hbm>>) target(%arg7 : memref<64xi32, #tpu.memory_space<vmem>>) target_semaphore(%run_scoped3A : memref<!tpu.dma_semaphore, #tpu.memory_space<semaphore_mem>>)
      %dma_wait3A_15 = tpu.memref_slice %arg4[%mul3A_2] : memref<2048xi32, #tpu.memory_space<hbm>> -> memref<64xi32, #tpu.memory_space<hbm>>
      %dma_wait3A_16 = tpu.memref_slice %arg4[%mul3A_2] : memref<2048xi32, #tpu.memory_space<hbm>> -> memref<64xi32, #tpu.memory_space<hbm>>
      tpu.wait_dma2 semaphore(%run_scoped3A : memref<!tpu.dma_semaphore, #tpu.memory_space<semaphore_mem>>) src(%dma_wait3A_16 : memref<64xi32, #tpu.memory_space<hbm>>) dst(%arg7 : memref<64xi32, #tpu.memory_space<vmem>>)
      tpu.yield
    }) : () -> ()
    "tpu.region"() ({
      %run_scoped3A = tpu.sem_alloc : memref<!tpu.dma_semaphore, #tpu.memory_space<semaphore_mem>>
      %dma_start3A_13 = arith.constant 0 : i32
      %dma_start3A_14 = tpu.memref_slice %arg2[%mul3A_2, %dma_start3A_13] : memref<2048x768xf32, #tpu.memory_space<hbm>> -> memref<64x768xf32, #tpu.memory_space<hbm>>
      %dma_start3A_15 = arith.constant 0 : i32
      %dma_start3A_16 = tpu.memref_slice %arg2[%mul3A_2, %dma_start3A_15] : memref<2048x768xf32, #tpu.memory_space<hbm>> -> memref<64x768xf32, #tpu.memory_space<hbm>>
      tpu.enqueue_dma source(%dma_start3A_16 : memref<64x768xf32, #tpu.memory_space<hbm>>) target(%arg8 : memref<64x768xf32, #tpu.memory_space<vmem>>) target_semaphore(%run_scoped3A : memref<!tpu.dma_semaphore, #tpu.memory_space<semaphore_mem>>)
      %dma_wait3A_17 = arith.constant 0 : i32
      %dma_wait3A_18 = tpu.memref_slice %arg2[%mul3A_2, %dma_wait3A_17] : memref<2048x768xf32, #tpu.memory_space<hbm>> -> memref<64x768xf32, #tpu.memory_space<hbm>>
      %dma_wait3A_19 = arith.constant 0 : i32
      %dma_wait3A_20 = tpu.memref_slice %arg2[%mul3A_2, %dma_wait3A_19] : memref<2048x768xf32, #tpu.memory_space<hbm>> -> memref<64x768xf32, #tpu.memory_space<hbm>>
      tpu.wait_dma2 semaphore(%run_scoped3A : memref<!tpu.dma_semaphore, #tpu.memory_space<semaphore_mem>>) src(%dma_wait3A_20 : memref<64x768xf32, #tpu.memory_space<hbm>>) dst(%arg8 : memref<64x768xf32, #tpu.memory_space<vmem>>)
      tpu.yield
    }) : () -> ()
    %dma_start3A = arith.constant 0 : i32
    %dma_start3A_3 = arith.constant 0 : i32
    %dma_start3A_4 = tpu.memref_slice %arg5[%dma_start3A, %dma_start3A_3] : memref<4096x768xf32, #tpu.memory_space<hbm>> -> memref<4096x768xf32, #tpu.memory_space<hbm>>
    tpu.enqueue_indirect_dma source(%arg8 : memref<64x768xf32, #tpu.memory_space<vmem>>) target(%dma_start3A_4 : memref<4096x768xf32, #tpu.memory_space<hbm>>) offsets(%arg6 : memref<64xi32, #tpu.memory_space<vmem>>) semaphore(%arg9 : memref<!tpu.dma_semaphore, #tpu.memory_space<semaphore_mem>>)
    %dma_start3A_5 = arith.constant 0 : i32
    %dma_start3A_6 = arith.constant 0 : i32
    %dma_start3A_7 = tpu.memref_slice %arg5[%dma_start3A_5, %dma_start3A_6] : memref<4096x768xf32, #tpu.memory_space<hbm>> -> memref<4096x768xf32, #tpu.memory_space<hbm>>
    tpu.enqueue_indirect_dma source(%arg8 : memref<64x768xf32, #tpu.memory_space<vmem>>) target(%dma_start3A_7 : memref<4096x768xf32, #tpu.memory_space<hbm>>) offsets(%arg7 : memref<64xi32, #tpu.memory_space<vmem>>) semaphore(%arg10 : memref<!tpu.dma_semaphore, #tpu.memory_space<semaphore_mem>>)
    %dma_wait3A = arith.constant 0 : i32
    %dma_wait3A_8 = arith.constant 0 : i32
    %dma_wait3A_9 = tpu.memref_slice %arg5[%dma_wait3A, %dma_wait3A_8] : memref<4096x768xf32, #tpu.memory_space<hbm>> -> memref<4096x768xf32, #tpu.memory_space<hbm>>
    tpu.wait_indirect_dma semaphore(%arg9 : memref<!tpu.dma_semaphore, #tpu.memory_space<semaphore_mem>>) src(%arg8 : memref<64x768xf32, #tpu.memory_space<vmem>>) dst(%dma_wait3A_9 : memref<4096x768xf32, #tpu.memory_space<hbm>>)
    %dma_wait3A_10 = arith.constant 0 : i32
    %dma_wait3A_11 = arith.constant 0 : i32
    %dma_wait3A_12 = tpu.memref_slice %arg5[%dma_wait3A_10, %dma_wait3A_11] : memref<4096x768xf32, #tpu.memory_space<hbm>> -> memref<4096x768xf32, #tpu.memory_space<hbm>>
    tpu.wait_indirect_dma semaphore(%arg10 : memref<!tpu.dma_semaphore, #tpu.memory_space<semaphore_mem>>) src(%arg8 : memref<64x768xf32, #tpu.memory_space<vmem>>) dst(%dma_wait3A_12 : memref<4096x768xf32, #tpu.memory_space<hbm>>)
    return
  }
}

module attributes {stable_mosaic.version = 14 : i64} {
  func.func @_gmm_body(%arg0: i32, %arg1: memref<128xi32, #tpu.memory_space<smem>>, %arg2: memref<256x768xf32, #tpu.memory_space<vmem>>, %arg3: memref<8x768x768xf32, #tpu.memory_space<vmem>>, %arg4: memref<8x768xf32, #tpu.memory_space<vmem>>, %arg5: memref<256x768xf32, #tpu.memory_space<vmem>>) attributes {dimension_semantics = [#tpu.dimension_semantics<arbitrary>], iteration_bounds = array<i64: 16>, scalar_prefetch = 1 : i64, scratch_operands = 0 : i64, tpu.core_type = #tpu.core_type<tc>, window_params = [{transform_indices = @transform_0, window_bounds = array<i64: 256, 768>}, {pipeline_mode = #tpu.pipeline_mode<synchronous>, transform_indices = @transform_1, window_bounds = array<i64: 8, 768, 768>}, {pipeline_mode = #tpu.pipeline_mode<synchronous>, transform_indices = @transform_2, window_bounds = array<i64: 8, 768>}, {transform_indices = @transform_3, window_bounds = array<i64: 256, 768>}]} {
    %mul3A = arith.constant 256 : i32
    %mul3A_0 = arith.muli %arg0, %mul3A : i32
    %iota3A = tpu.iota {dimensions = array<i32: 0>} : vector<256x1xi32>
    %add3A = vector.broadcast %mul3A_0 : i32 to vector<256x1xi32>
    %add3A_1 = arith.addi %iota3A, %add3A : vector<256x1xi32>
    %broadcast_in_dim3A = arith.constant 0.000000e+00 : f32
    %broadcast_in_dim3A_2 = vector.broadcast %broadcast_in_dim3A : f32 to vector<256x768xf32>
    %swap3A = arith.constant 0 : index
    %swap3A_3 = arith.constant 0 : index
    %swap3A_4 = vector.load %arg5[%swap3A, %swap3A_3] : memref<256x768xf32, #tpu.memory_space<vmem>>, vector<256x768xf32>
    tpu.vector_store %arg5[%swap3A, %swap3A_3], %broadcast_in_dim3A_2 {strides = array<i32>} : memref<256x768xf32, #tpu.memory_space<vmem>>, vector<256x768xf32>,
    %get3A = arith.constant 0 : index
    %get3A_5 = memref.load %arg1[%get3A] : memref<128xi32, #tpu.memory_space<smem>>
    %get3A_6 = arith.constant 1 : index
    %get3A_7 = memref.load %arg1[%get3A_6] : memref<128xi32, #tpu.memory_space<smem>>
    %gt3A = arith.cmpi sgt, %get3A_7, %mul3A_0 : i32
    %add3A_8 = arith.constant 256 : i32
    %add3A_9 = arith.addi %mul3A_0, %add3A_8 : i32
    %lt3A = arith.cmpi slt, %get3A_5, %add3A_9 : i32
    %and3A = arith.andi %gt3A, %lt3A : i1
    %convert_element_type3A = arith.extui %and3A : i1 to i32
    %cond3A = arith.constant 0 : i32
    %cond3A_10 = arith.cmpi ne, %convert_element_type3A, %cond3A : i32
    scf.if %cond3A_10 {
      %ge3A = vector.broadcast %get3A_5 : i32 to vector<256x1xi32>
      %ge3A_95 = arith.cmpi sge, %add3A_1, %ge3A : vector<256x1xi32>
      %lt3A_96 = vector.broadcast %get3A_7 : i32 to vector<256x1xi32>
      %lt3A_97 = arith.cmpi slt, %add3A_1, %lt3A_96 : vector<256x1xi32>
      %and3A_98 = arith.andi %ge3A_95, %lt3A_97 : vector<256x1xi1>
      %get3A_99 = arith.constant 0 : index
      %get3A_100 = arith.constant 0 : index
      %get3A_101 = vector.load %arg5[%get3A_99, %get3A_100] : memref<256x768xf32, #tpu.memory_space<vmem>>, vector<256x768xf32>
      %jit3A = arith.constant 1.000000e+00 : f32
      %jit3A_102 = arith.constant 0.000000e+00 : f32
      %broadcast_in_dim3A_103 = vector.broadcast %jit3A : f32 to vector<256x1xf32>
      %broadcast_in_dim3A_104 = vector.broadcast %jit3A_102 : f32 to vector<256x1xf32>
      %select_n3A = arith.select %and3A_98, %broadcast_in_dim3A_103, %broadcast_in_dim3A_104 : vector<256x1xi1>, vector<256x1xf32>
      %get3A_105 = arith.constant 0 : index
      %get3A_106 = arith.constant 0 : index
      %get3A_107 = vector.load %arg2[%get3A_105, %get3A_106] : memref<256x768xf32, #tpu.memory_space<vmem>>, vector<256x768xf32>
      %get3A_108 = arith.constant 0 : index
      %get3A_109 = arith.constant 0 : index
      %get3A_110 = arith.constant 0 : index
      %get3A_111 = vector.load %arg3[%get3A_108, %get3A_109, %get3A_110] : memref<8x768x768xf32, #tpu.memory_space<vmem>>, vector<1x768x768xf32>
      %get3A_112 = vector.shape_cast %get3A_111 : vector<1x768x768xf32> to vector<768x768xf32>
      %dot_general3A = arith.constant dense<0.000000e+00> : vector<256x768xf32>
      %dot_general3A_113 = tpu.matmul %get3A_107, %get3A_112, %dot_general3A {dimension_numbers = #tpu.dot_dimension_numbers<[1], [0], [0], [1], [0, 0, 1, 1], [], []>, transpose_lhs_hint = false} : vector<256x768xf32>, vector<768x768xf32>, vector<256x768xf32> -> vector<256x768xf32>
      %get3A_114 = arith.constant 0 : index
      %get3A_115 = arith.constant 0 : index
      %get3A_116 = vector.load %arg4[%get3A_114, %get3A_115] : memref<8x768xf32, #tpu.memory_space<vmem>>, vector<1x768xf32>
      %get3A_117 = vector.shape_cast %get3A_116 : vector<1x768xf32> to vector<768xf32>
      %broadcast_in_dim3A_118 = vector.shape_cast %get3A_117 : vector<768xf32> to vector<1x768xf32>
      %add3A_119 = vector.broadcast %broadcast_in_dim3A_118 : vector<1x768xf32> to vector<256x768xf32>
      %add3A_120 = arith.addf %dot_general3A_113, %add3A_119 : vector<256x768xf32>
      %mul3A_121 = vector.broadcast %select_n3A : vector<256x1xf32> to vector<256x768xf32>
      %mul3A_122 = arith.mulf %mul3A_121, %add3A_120 : vector<256x768xf32>
      %add3A_123 = arith.addf %get3A_101, %mul3A_122 : vector<256x768xf32>
      %swap3A_124 = arith.constant 0 : index
      %swap3A_125 = arith.constant 0 : index
      %swap3A_126 = vector.load %arg5[%swap3A_124, %swap3A_125] : memref<256x768xf32, #tpu.memory_space<vmem>>, vector<256x768xf32>
      tpu.vector_store %arg5[%swap3A_124, %swap3A_125], %add3A_123 {strides = array<i32>} : memref<256x768xf32, #tpu.memory_space<vmem>>, vector<256x768xf32>,
    } else {
    }
    %get3A_11 = arith.constant 1 : index
    %get3A_12 = memref.load %arg1[%get3A_11] : memref<128xi32, #tpu.memory_space<smem>>
    %get3A_13 = arith.constant 2 : index
    %get3A_14 = memref.load %arg1[%get3A_13] : memref<128xi32, #tpu.memory_space<smem>>
    %gt3A_15 = arith.cmpi sgt, %get3A_14, %mul3A_0 : i32
    %add3A_16 = arith.constant 256 : i32
    %add3A_17 = arith.addi %mul3A_0, %add3A_16 : i32
    %lt3A_18 = arith.cmpi slt, %get3A_12, %add3A_17 : i32
    %and3A_19 = arith.andi %gt3A_15, %lt3A_18 : i1
    %convert_element_type3A_20 = arith.extui %and3A_19 : i1 to i32
    %cond3A_21 = arith.constant 0 : i32
    %cond3A_22 = arith.cmpi ne, %convert_element_type3A_20, %cond3A_21 : i32
    scf.if %cond3A_22 {
      %ge3A = vector.broadcast %get3A_12 : i32 to vector<256x1xi32>
      %ge3A_95 = arith.cmpi sge, %add3A_1, %ge3A : vector<256x1xi32>
      %lt3A_96 = vector.broadcast %get3A_14 : i32 to vector<256x1xi32>
      %lt3A_97 = arith.cmpi slt, %add3A_1, %lt3A_96 : vector<256x1xi32>
      %and3A_98 = arith.andi %ge3A_95, %lt3A_97 : vector<256x1xi1>
      %get3A_99 = arith.constant 0 : index
      %get3A_100 = arith.constant 0 : index
      %get3A_101 = vector.load %arg5[%get3A_99, %get3A_100] : memref<256x768xf32, #tpu.memory_space<vmem>>, vector<256x768xf32>
      %jit3A = arith.constant 1.000000e+00 : f32
      %jit3A_102 = arith.constant 0.000000e+00 : f32
      %broadcast_in_dim3A_103 = vector.broadcast %jit3A : f32 to vector<256x1xf32>
      %broadcast_in_dim3A_104 = vector.broadcast %jit3A_102 : f32 to vector<256x1xf32>
      %select_n3A = arith.select %and3A_98, %broadcast_in_dim3A_103, %broadcast_in_dim3A_104 : vector<256x1xi1>, vector<256x1xf32>
      %get3A_105 = arith.constant 0 : index
      %get3A_106 = arith.constant 0 : index
      %get3A_107 = vector.load %arg2[%get3A_105, %get3A_106] : memref<256x768xf32, #tpu.memory_space<vmem>>, vector<256x768xf32>
      %get3A_108 = arith.constant 1 : index
      %get3A_109 = arith.constant 0 : index
      %get3A_110 = arith.constant 0 : index
      %get3A_111 = vector.load %arg3[%get3A_108, %get3A_109, %get3A_110] : memref<8x768x768xf32, #tpu.memory_space<vmem>>, vector<1x768x768xf32>
      %get3A_112 = vector.shape_cast %get3A_111 : vector<1x768x768xf32> to vector<768x768xf32>
      %dot_general3A = arith.constant dense<0.000000e+00> : vector<256x768xf32>
      %dot_general3A_113 = tpu.matmul %get3A_107, %get3A_112, %dot_general3A {dimension_numbers = #tpu.dot_dimension_numbers<[1], [0], [0], [1], [0, 0, 1, 1], [], []>, transpose_lhs_hint = false} : vector<256x768xf32>, vector<768x768xf32>, vector<256x768xf32> -> vector<256x768xf32>
      %get3A_114 = arith.constant 1 : index
      %get3A_115 = arith.constant 0 : index
      %get3A_116 = vector.load %arg4[%get3A_114, %get3A_115] : memref<8x768xf32, #tpu.memory_space<vmem>>, vector<1x768xf32>
      %get3A_117 = vector.shape_cast %get3A_116 : vector<1x768xf32> to vector<768xf32>
      %broadcast_in_dim3A_118 = vector.shape_cast %get3A_117 : vector<768xf32> to vector<1x768xf32>
      %add3A_119 = vector.broadcast %broadcast_in_dim3A_118 : vector<1x768xf32> to vector<256x768xf32>
      %add3A_120 = arith.addf %dot_general3A_113, %add3A_119 : vector<256x768xf32>
      %mul3A_121 = vector.broadcast %select_n3A : vector<256x1xf32> to vector<256x768xf32>
      %mul3A_122 = arith.mulf %mul3A_121, %add3A_120 : vector<256x768xf32>
      %add3A_123 = arith.addf %get3A_101, %mul3A_122 : vector<256x768xf32>
      %swap3A_124 = arith.constant 0 : index
      %swap3A_125 = arith.constant 0 : index
      %swap3A_126 = vector.load %arg5[%swap3A_124, %swap3A_125] : memref<256x768xf32, #tpu.memory_space<vmem>>, vector<256x768xf32>
      tpu.vector_store %arg5[%swap3A_124, %swap3A_125], %add3A_123 {strides = array<i32>} : memref<256x768xf32, #tpu.memory_space<vmem>>, vector<256x768xf32>,
    } else {
    }
    %get3A_23 = arith.constant 2 : index
    %get3A_24 = memref.load %arg1[%get3A_23] : memref<128xi32, #tpu.memory_space<smem>>
    %get3A_25 = arith.constant 3 : index
    %get3A_26 = memref.load %arg1[%get3A_25] : memref<128xi32, #tpu.memory_space<smem>>
    %gt3A_27 = arith.cmpi sgt, %get3A_26, %mul3A_0 : i32
    %add3A_28 = arith.constant 256 : i32
    %add3A_29 = arith.addi %mul3A_0, %add3A_28 : i32
    %lt3A_30 = arith.cmpi slt, %get3A_24, %add3A_29 : i32
    %and3A_31 = arith.andi %gt3A_27, %lt3A_30 : i1
    %convert_element_type3A_32 = arith.extui %and3A_31 : i1 to i32
    %cond3A_33 = arith.constant 0 : i32
    %cond3A_34 = arith.cmpi ne, %convert_element_type3A_32, %cond3A_33 : i32
    scf.if %cond3A_34 {
      %ge3A = vector.broadcast %get3A_24 : i32 to vector<256x1xi32>
      %ge3A_95 = arith.cmpi sge, %add3A_1, %ge3A : vector<256x1xi32>
      %lt3A_96 = vector.broadcast %get3A_26 : i32 to vector<256x1xi32>
      %lt3A_97 = arith.cmpi slt, %add3A_1, %lt3A_96 : vector<256x1xi32>
      %and3A_98 = arith.andi %ge3A_95, %lt3A_97 : vector<256x1xi1>
      %get3A_99 = arith.constant 0 : index
      %get3A_100 = arith.constant 0 : index
      %get3A_101 = vector.load %arg5[%get3A_99, %get3A_100] : memref<256x768xf32, #tpu.memory_space<vmem>>, vector<256x768xf32>
      %jit3A = arith.constant 1.000000e+00 : f32
      %jit3A_102 = arith.constant 0.000000e+00 : f32
      %broadcast_in_dim3A_103 = vector.broadcast %jit3A : f32 to vector<256x1xf32>
      %broadcast_in_dim3A_104 = vector.broadcast %jit3A_102 : f32 to vector<256x1xf32>
      %select_n3A = arith.select %and3A_98, %broadcast_in_dim3A_103, %broadcast_in_dim3A_104 : vector<256x1xi1>, vector<256x1xf32>
      %get3A_105 = arith.constant 0 : index
      %get3A_106 = arith.constant 0 : index
      %get3A_107 = vector.load %arg2[%get3A_105, %get3A_106] : memref<256x768xf32, #tpu.memory_space<vmem>>, vector<256x768xf32>
      %get3A_108 = arith.constant 2 : index
      %get3A_109 = arith.constant 0 : index
      %get3A_110 = arith.constant 0 : index
      %get3A_111 = vector.load %arg3[%get3A_108, %get3A_109, %get3A_110] : memref<8x768x768xf32, #tpu.memory_space<vmem>>, vector<1x768x768xf32>
      %get3A_112 = vector.shape_cast %get3A_111 : vector<1x768x768xf32> to vector<768x768xf32>
      %dot_general3A = arith.constant dense<0.000000e+00> : vector<256x768xf32>
      %dot_general3A_113 = tpu.matmul %get3A_107, %get3A_112, %dot_general3A {dimension_numbers = #tpu.dot_dimension_numbers<[1], [0], [0], [1], [0, 0, 1, 1], [], []>, transpose_lhs_hint = false} : vector<256x768xf32>, vector<768x768xf32>, vector<256x768xf32> -> vector<256x768xf32>
      %get3A_114 = arith.constant 2 : index
      %get3A_115 = arith.constant 0 : index
      %get3A_116 = vector.load %arg4[%get3A_114, %get3A_115] : memref<8x768xf32, #tpu.memory_space<vmem>>, vector<1x768xf32>
      %get3A_117 = vector.shape_cast %get3A_116 : vector<1x768xf32> to vector<768xf32>
      %broadcast_in_dim3A_118 = vector.shape_cast %get3A_117 : vector<768xf32> to vector<1x768xf32>
      %add3A_119 = vector.broadcast %broadcast_in_dim3A_118 : vector<1x768xf32> to vector<256x768xf32>
      %add3A_120 = arith.addf %dot_general3A_113, %add3A_119 : vector<256x768xf32>
      %mul3A_121 = vector.broadcast %select_n3A : vector<256x1xf32> to vector<256x768xf32>
      %mul3A_122 = arith.mulf %mul3A_121, %add3A_120 : vector<256x768xf32>
      %add3A_123 = arith.addf %get3A_101, %mul3A_122 : vector<256x768xf32>
      %swap3A_124 = arith.constant 0 : index
      %swap3A_125 = arith.constant 0 : index
      %swap3A_126 = vector.load %arg5[%swap3A_124, %swap3A_125] : memref<256x768xf32, #tpu.memory_space<vmem>>, vector<256x768xf32>
      tpu.vector_store %arg5[%swap3A_124, %swap3A_125], %add3A_123 {strides = array<i32>} : memref<256x768xf32, #tpu.memory_space<vmem>>, vector<256x768xf32>,
    } else {
    }
    %get3A_35 = arith.constant 3 : index
    %get3A_36 = memref.load %arg1[%get3A_35] : memref<128xi32, #tpu.memory_space<smem>>
    %get3A_37 = arith.constant 4 : index
    %get3A_38 = memref.load %arg1[%get3A_37] : memref<128xi32, #tpu.memory_space<smem>>
    %gt3A_39 = arith.cmpi sgt, %get3A_38, %mul3A_0 : i32
    %add3A_40 = arith.constant 256 : i32
    %add3A_41 = arith.addi %mul3A_0, %add3A_40 : i32
    %lt3A_42 = arith.cmpi slt, %get3A_36, %add3A_41 : i32
    %and3A_43 = arith.andi %gt3A_39, %lt3A_42 : i1
    %convert_element_type3A_44 = arith.extui %and3A_43 : i1 to i32
    %cond3A_45 = arith.constant 0 : i32
    %cond3A_46 = arith.cmpi ne, %convert_element_type3A_44, %cond3A_45 : i32
    scf.if %cond3A_46 {
      %ge3A = vector.broadcast %get3A_36 : i32 to vector<256x1xi32>
      %ge3A_95 = arith.cmpi sge, %add3A_1, %ge3A : vector<256x1xi32>
      %lt3A_96 = vector.broadcast %get3A_38 : i32 to vector<256x1xi32>
      %lt3A_97 = arith.cmpi slt, %add3A_1, %lt3A_96 : vector<256x1xi32>
      %and3A_98 = arith.andi %ge3A_95, %lt3A_97 : vector<256x1xi1>
      %get3A_99 = arith.constant 0 : index
      %get3A_100 = arith.constant 0 : index
      %get3A_101 = vector.load %arg5[%get3A_99, %get3A_100] : memref<256x768xf32, #tpu.memory_space<vmem>>, vector<256x768xf32>
      %jit3A = arith.constant 1.000000e+00 : f32
      %jit3A_102 = arith.constant 0.000000e+00 : f32
      %broadcast_in_dim3A_103 = vector.broadcast %jit3A : f32 to vector<256x1xf32>
      %broadcast_in_dim3A_104 = vector.broadcast %jit3A_102 : f32 to vector<256x1xf32>
      %select_n3A = arith.select %and3A_98, %broadcast_in_dim3A_103, %broadcast_in_dim3A_104 : vector<256x1xi1>, vector<256x1xf32>
      %get3A_105 = arith.constant 0 : index
      %get3A_106 = arith.constant 0 : index
      %get3A_107 = vector.load %arg2[%get3A_105, %get3A_106] : memref<256x768xf32, #tpu.memory_space<vmem>>, vector<256x768xf32>
      %get3A_108 = arith.constant 3 : index
      %get3A_109 = arith.constant 0 : index
      %get3A_110 = arith.constant 0 : index
      %get3A_111 = vector.load %arg3[%get3A_108, %get3A_109, %get3A_110] : memref<8x768x768xf32, #tpu.memory_space<vmem>>, vector<1x768x768xf32>
      %get3A_112 = vector.shape_cast %get3A_111 : vector<1x768x768xf32> to vector<768x768xf32>
      %dot_general3A = arith.constant dense<0.000000e+00> : vector<256x768xf32>
      %dot_general3A_113 = tpu.matmul %get3A_107, %get3A_112, %dot_general3A {dimension_numbers = #tpu.dot_dimension_numbers<[1], [0], [0], [1], [0, 0, 1, 1], [], []>, transpose_lhs_hint = false} : vector<256x768xf32>, vector<768x768xf32>, vector<256x768xf32> -> vector<256x768xf32>
      %get3A_114 = arith.constant 3 : index
      %get3A_115 = arith.constant 0 : index
      %get3A_116 = vector.load %arg4[%get3A_114, %get3A_115] : memref<8x768xf32, #tpu.memory_space<vmem>>, vector<1x768xf32>
      %get3A_117 = vector.shape_cast %get3A_116 : vector<1x768xf32> to vector<768xf32>
      %broadcast_in_dim3A_118 = vector.shape_cast %get3A_117 : vector<768xf32> to vector<1x768xf32>
      %add3A_119 = vector.broadcast %broadcast_in_dim3A_118 : vector<1x768xf32> to vector<256x768xf32>
      %add3A_120 = arith.addf %dot_general3A_113, %add3A_119 : vector<256x768xf32>
      %mul3A_121 = vector.broadcast %select_n3A : vector<256x1xf32> to vector<256x768xf32>
      %mul3A_122 = arith.mulf %mul3A_121, %add3A_120 : vector<256x768xf32>
      %add3A_123 = arith.addf %get3A_101, %mul3A_122 : vector<256x768xf32>
      %swap3A_124 = arith.constant 0 : index
      %swap3A_125 = arith.constant 0 : index
      %swap3A_126 = vector.load %arg5[%swap3A_124, %swap3A_125] : memref<256x768xf32, #tpu.memory_space<vmem>>, vector<256x768xf32>
      tpu.vector_store %arg5[%swap3A_124, %swap3A_125], %add3A_123 {strides = array<i32>} : memref<256x768xf32, #tpu.memory_space<vmem>>, vector<256x768xf32>,
    } else {
    }
    %get3A_47 = arith.constant 4 : index
    %get3A_48 = memref.load %arg1[%get3A_47] : memref<128xi32, #tpu.memory_space<smem>>
    %get3A_49 = arith.constant 5 : index
    %get3A_50 = memref.load %arg1[%get3A_49] : memref<128xi32, #tpu.memory_space<smem>>
    %gt3A_51 = arith.cmpi sgt, %get3A_50, %mul3A_0 : i32
    %add3A_52 = arith.constant 256 : i32
    %add3A_53 = arith.addi %mul3A_0, %add3A_52 : i32
    %lt3A_54 = arith.cmpi slt, %get3A_48, %add3A_53 : i32
    %and3A_55 = arith.andi %gt3A_51, %lt3A_54 : i1
    %convert_element_type3A_56 = arith.extui %and3A_55 : i1 to i32
    %cond3A_57 = arith.constant 0 : i32
    %cond3A_58 = arith.cmpi ne, %convert_element_type3A_56, %cond3A_57 : i32
    scf.if %cond3A_58 {
      %ge3A = vector.broadcast %get3A_48 : i32 to vector<256x1xi32>
      %ge3A_95 = arith.cmpi sge, %add3A_1, %ge3A : vector<256x1xi32>
      %lt3A_96 = vector.broadcast %get3A_50 : i32 to vector<256x1xi32>
      %lt3A_97 = arith.cmpi slt, %add3A_1, %lt3A_96 : vector<256x1xi32>
      %and3A_98 = arith.andi %ge3A_95, %lt3A_97 : vector<256x1xi1>
      %get3A_99 = arith.constant 0 : index
      %get3A_100 = arith.constant 0 : index
      %get3A_101 = vector.load %arg5[%get3A_99, %get3A_100] : memref<256x768xf32, #tpu.memory_space<vmem>>, vector<256x768xf32>
      %jit3A = arith.constant 1.000000e+00 : f32
      %jit3A_102 = arith.constant 0.000000e+00 : f32
      %broadcast_in_dim3A_103 = vector.broadcast %jit3A : f32 to vector<256x1xf32>
      %broadcast_in_dim3A_104 = vector.broadcast %jit3A_102 : f32 to vector<256x1xf32>
      %select_n3A = arith.select %and3A_98, %broadcast_in_dim3A_103, %broadcast_in_dim3A_104 : vector<256x1xi1>, vector<256x1xf32>
      %get3A_105 = arith.constant 0 : index
      %get3A_106 = arith.constant 0 : index
      %get3A_107 = vector.load %arg2[%get3A_105, %get3A_106] : memref<256x768xf32, #tpu.memory_space<vmem>>, vector<256x768xf32>
      %get3A_108 = arith.constant 4 : index
      %get3A_109 = arith.constant 0 : index
      %get3A_110 = arith.constant 0 : index
      %get3A_111 = vector.load %arg3[%get3A_108, %get3A_109, %get3A_110] : memref<8x768x768xf32, #tpu.memory_space<vmem>>, vector<1x768x768xf32>
      %get3A_112 = vector.shape_cast %get3A_111 : vector<1x768x768xf32> to vector<768x768xf32>
      %dot_general3A = arith.constant dense<0.000000e+00> : vector<256x768xf32>
      %dot_general3A_113 = tpu.matmul %get3A_107, %get3A_112, %dot_general3A {dimension_numbers = #tpu.dot_dimension_numbers<[1], [0], [0], [1], [0, 0, 1, 1], [], []>, transpose_lhs_hint = false} : vector<256x768xf32>, vector<768x768xf32>, vector<256x768xf32> -> vector<256x768xf32>
      %get3A_114 = arith.constant 4 : index
      %get3A_115 = arith.constant 0 : index
      %get3A_116 = vector.load %arg4[%get3A_114, %get3A_115] : memref<8x768xf32, #tpu.memory_space<vmem>>, vector<1x768xf32>
      %get3A_117 = vector.shape_cast %get3A_116 : vector<1x768xf32> to vector<768xf32>
      %broadcast_in_dim3A_118 = vector.shape_cast %get3A_117 : vector<768xf32> to vector<1x768xf32>
      %add3A_119 = vector.broadcast %broadcast_in_dim3A_118 : vector<1x768xf32> to vector<256x768xf32>
      %add3A_120 = arith.addf %dot_general3A_113, %add3A_119 : vector<256x768xf32>
      %mul3A_121 = vector.broadcast %select_n3A : vector<256x1xf32> to vector<256x768xf32>
      %mul3A_122 = arith.mulf %mul3A_121, %add3A_120 : vector<256x768xf32>
      %add3A_123 = arith.addf %get3A_101, %mul3A_122 : vector<256x768xf32>
      %swap3A_124 = arith.constant 0 : index
      %swap3A_125 = arith.constant 0 : index
      %swap3A_126 = vector.load %arg5[%swap3A_124, %swap3A_125] : memref<256x768xf32, #tpu.memory_space<vmem>>, vector<256x768xf32>
      tpu.vector_store %arg5[%swap3A_124, %swap3A_125], %add3A_123 {strides = array<i32>} : memref<256x768xf32, #tpu.memory_space<vmem>>, vector<256x768xf32>,
    } else {
    }
    %get3A_59 = arith.constant 5 : index
    %get3A_60 = memref.load %arg1[%get3A_59] : memref<128xi32, #tpu.memory_space<smem>>
    %get3A_61 = arith.constant 6 : index
    %get3A_62 = memref.load %arg1[%get3A_61] : memref<128xi32, #tpu.memory_space<smem>>
    %gt3A_63 = arith.cmpi sgt, %get3A_62, %mul3A_0 : i32
    %add3A_64 = arith.constant 256 : i32
    %add3A_65 = arith.addi %mul3A_0, %add3A_64 : i32
    %lt3A_66 = arith.cmpi slt, %get3A_60, %add3A_65 : i32
    %and3A_67 = arith.andi %gt3A_63, %lt3A_66 : i1
    %convert_element_type3A_68 = arith.extui %and3A_67 : i1 to i32
    %cond3A_69 = arith.constant 0 : i32
    %cond3A_70 = arith.cmpi ne, %convert_element_type3A_68, %cond3A_69 : i32
    scf.if %cond3A_70 {
      %ge3A = vector.broadcast %get3A_60 : i32 to vector<256x1xi32>
      %ge3A_95 = arith.cmpi sge, %add3A_1, %ge3A : vector<256x1xi32>
      %lt3A_96 = vector.broadcast %get3A_62 : i32 to vector<256x1xi32>
      %lt3A_97 = arith.cmpi slt, %add3A_1, %lt3A_96 : vector<256x1xi32>
      %and3A_98 = arith.andi %ge3A_95, %lt3A_97 : vector<256x1xi1>
      %get3A_99 = arith.constant 0 : index
      %get3A_100 = arith.constant 0 : index
      %get3A_101 = vector.load %arg5[%get3A_99, %get3A_100] : memref<256x768xf32, #tpu.memory_space<vmem>>, vector<256x768xf32>
      %jit3A = arith.constant 1.000000e+00 : f32
      %jit3A_102 = arith.constant 0.000000e+00 : f32
      %broadcast_in_dim3A_103 = vector.broadcast %jit3A : f32 to vector<256x1xf32>
      %broadcast_in_dim3A_104 = vector.broadcast %jit3A_102 : f32 to vector<256x1xf32>
      %select_n3A = arith.select %and3A_98, %broadcast_in_dim3A_103, %broadcast_in_dim3A_104 : vector<256x1xi1>, vector<256x1xf32>
      %get3A_105 = arith.constant 0 : index
      %get3A_106 = arith.constant 0 : index
      %get3A_107 = vector.load %arg2[%get3A_105, %get3A_106] : memref<256x768xf32, #tpu.memory_space<vmem>>, vector<256x768xf32>
      %get3A_108 = arith.constant 5 : index
      %get3A_109 = arith.constant 0 : index
      %get3A_110 = arith.constant 0 : index
      %get3A_111 = vector.load %arg3[%get3A_108, %get3A_109, %get3A_110] : memref<8x768x768xf32, #tpu.memory_space<vmem>>, vector<1x768x768xf32>
      %get3A_112 = vector.shape_cast %get3A_111 : vector<1x768x768xf32> to vector<768x768xf32>
      %dot_general3A = arith.constant dense<0.000000e+00> : vector<256x768xf32>
      %dot_general3A_113 = tpu.matmul %get3A_107, %get3A_112, %dot_general3A {dimension_numbers = #tpu.dot_dimension_numbers<[1], [0], [0], [1], [0, 0, 1, 1], [], []>, transpose_lhs_hint = false} : vector<256x768xf32>, vector<768x768xf32>, vector<256x768xf32> -> vector<256x768xf32>
      %get3A_114 = arith.constant 5 : index
      %get3A_115 = arith.constant 0 : index
      %get3A_116 = vector.load %arg4[%get3A_114, %get3A_115] : memref<8x768xf32, #tpu.memory_space<vmem>>, vector<1x768xf32>
      %get3A_117 = vector.shape_cast %get3A_116 : vector<1x768xf32> to vector<768xf32>
      %broadcast_in_dim3A_118 = vector.shape_cast %get3A_117 : vector<768xf32> to vector<1x768xf32>
      %add3A_119 = vector.broadcast %broadcast_in_dim3A_118 : vector<1x768xf32> to vector<256x768xf32>
      %add3A_120 = arith.addf %dot_general3A_113, %add3A_119 : vector<256x768xf32>
      %mul3A_121 = vector.broadcast %select_n3A : vector<256x1xf32> to vector<256x768xf32>
      %mul3A_122 = arith.mulf %mul3A_121, %add3A_120 : vector<256x768xf32>
      %add3A_123 = arith.addf %get3A_101, %mul3A_122 : vector<256x768xf32>
      %swap3A_124 = arith.constant 0 : index
      %swap3A_125 = arith.constant 0 : index
      %swap3A_126 = vector.load %arg5[%swap3A_124, %swap3A_125] : memref<256x768xf32, #tpu.memory_space<vmem>>, vector<256x768xf32>
      tpu.vector_store %arg5[%swap3A_124, %swap3A_125], %add3A_123 {strides = array<i32>} : memref<256x768xf32, #tpu.memory_space<vmem>>, vector<256x768xf32>,
    } else {
    }
    %get3A_71 = arith.constant 6 : index
    %get3A_72 = memref.load %arg1[%get3A_71] : memref<128xi32, #tpu.memory_space<smem>>
    %get3A_73 = arith.constant 7 : index
    %get3A_74 = memref.load %arg1[%get3A_73] : memref<128xi32, #tpu.memory_space<smem>>
    %gt3A_75 = arith.cmpi sgt, %get3A_74, %mul3A_0 : i32
    %add3A_76 = arith.constant 256 : i32
    %add3A_77 = arith.addi %mul3A_0, %add3A_76 : i32
    %lt3A_78 = arith.cmpi slt, %get3A_72, %add3A_77 : i32
    %and3A_79 = arith.andi %gt3A_75, %lt3A_78 : i1
    %convert_element_type3A_80 = arith.extui %and3A_79 : i1 to i32
    %cond3A_81 = arith.constant 0 : i32
    %cond3A_82 = arith.cmpi ne, %convert_element_type3A_80, %cond3A_81 : i32
    scf.if %cond3A_82 {
      %ge3A = vector.broadcast %get3A_72 : i32 to vector<256x1xi32>
      %ge3A_95 = arith.cmpi sge, %add3A_1, %ge3A : vector<256x1xi32>
      %lt3A_96 = vector.broadcast %get3A_74 : i32 to vector<256x1xi32>
      %lt3A_97 = arith.cmpi slt, %add3A_1, %lt3A_96 : vector<256x1xi32>
      %and3A_98 = arith.andi %ge3A_95, %lt3A_97 : vector<256x1xi1>
      %get3A_99 = arith.constant 0 : index
      %get3A_100 = arith.constant 0 : index
      %get3A_101 = vector.load %arg5[%get3A_99, %get3A_100] : memref<256x768xf32, #tpu.memory_space<vmem>>, vector<256x768xf32>
      %jit3A = arith.constant 1.000000e+00 : f32
      %jit3A_102 = arith.constant 0.000000e+00 : f32
      %broadcast_in_dim3A_103 = vector.broadcast %jit3A : f32 to vector<256x1xf32>
      %broadcast_in_dim3A_104 = vector.broadcast %jit3A_102 : f32 to vector<256x1xf32>
      %select_n3A = arith.select %and3A_98, %broadcast_in_dim3A_103, %broadcast_in_dim3A_104 : vector<256x1xi1>, vector<256x1xf32>
      %get3A_105 = arith.constant 0 : index
      %get3A_106 = arith.constant 0 : index
      %get3A_107 = vector.load %arg2[%get3A_105, %get3A_106] : memref<256x768xf32, #tpu.memory_space<vmem>>, vector<256x768xf32>
      %get3A_108 = arith.constant 6 : index
      %get3A_109 = arith.constant 0 : index
      %get3A_110 = arith.constant 0 : index
      %get3A_111 = vector.load %arg3[%get3A_108, %get3A_109, %get3A_110] : memref<8x768x768xf32, #tpu.memory_space<vmem>>, vector<1x768x768xf32>
      %get3A_112 = vector.shape_cast %get3A_111 : vector<1x768x768xf32> to vector<768x768xf32>
      %dot_general3A = arith.constant dense<0.000000e+00> : vector<256x768xf32>
      %dot_general3A_113 = tpu.matmul %get3A_107, %get3A_112, %dot_general3A {dimension_numbers = #tpu.dot_dimension_numbers<[1], [0], [0], [1], [0, 0, 1, 1], [], []>, transpose_lhs_hint = false} : vector<256x768xf32>, vector<768x768xf32>, vector<256x768xf32> -> vector<256x768xf32>
      %get3A_114 = arith.constant 6 : index
      %get3A_115 = arith.constant 0 : index
      %get3A_116 = vector.load %arg4[%get3A_114, %get3A_115] : memref<8x768xf32, #tpu.memory_space<vmem>>, vector<1x768xf32>
      %get3A_117 = vector.shape_cast %get3A_116 : vector<1x768xf32> to vector<768xf32>
      %broadcast_in_dim3A_118 = vector.shape_cast %get3A_117 : vector<768xf32> to vector<1x768xf32>
      %add3A_119 = vector.broadcast %broadcast_in_dim3A_118 : vector<1x768xf32> to vector<256x768xf32>
      %add3A_120 = arith.addf %dot_general3A_113, %add3A_119 : vector<256x768xf32>
      %mul3A_121 = vector.broadcast %select_n3A : vector<256x1xf32> to vector<256x768xf32>
      %mul3A_122 = arith.mulf %mul3A_121, %add3A_120 : vector<256x768xf32>
      %add3A_123 = arith.addf %get3A_101, %mul3A_122 : vector<256x768xf32>
      %swap3A_124 = arith.constant 0 : index
      %swap3A_125 = arith.constant 0 : index
      %swap3A_126 = vector.load %arg5[%swap3A_124, %swap3A_125] : memref<256x768xf32, #tpu.memory_space<vmem>>, vector<256x768xf32>
      tpu.vector_store %arg5[%swap3A_124, %swap3A_125], %add3A_123 {strides = array<i32>} : memref<256x768xf32, #tpu.memory_space<vmem>>, vector<256x768xf32>,
    } else {
    }
    %get3A_83 = arith.constant 7 : index
    %get3A_84 = memref.load %arg1[%get3A_83] : memref<128xi32, #tpu.memory_space<smem>>
    %get3A_85 = arith.constant 8 : index
    %get3A_86 = memref.load %arg1[%get3A_85] : memref<128xi32, #tpu.memory_space<smem>>
    %gt3A_87 = arith.cmpi sgt, %get3A_86, %mul3A_0 : i32
    %add3A_88 = arith.constant 256 : i32
    %add3A_89 = arith.addi %mul3A_0, %add3A_88 : i32
    %lt3A_90 = arith.cmpi slt, %get3A_84, %add3A_89 : i32
    %and3A_91 = arith.andi %gt3A_87, %lt3A_90 : i1
    %convert_element_type3A_92 = arith.extui %and3A_91 : i1 to i32
    %cond3A_93 = arith.constant 0 : i32
    %cond3A_94 = arith.cmpi ne, %convert_element_type3A_92, %cond3A_93 : i32
    scf.if %cond3A_94 {
      %ge3A = vector.broadcast %get3A_84 : i32 to vector<256x1xi32>
      %ge3A_95 = arith.cmpi sge, %add3A_1, %ge3A : vector<256x1xi32>
      %lt3A_96 = vector.broadcast %get3A_86 : i32 to vector<256x1xi32>
      %lt3A_97 = arith.cmpi slt, %add3A_1, %lt3A_96 : vector<256x1xi32>
      %and3A_98 = arith.andi %ge3A_95, %lt3A_97 : vector<256x1xi1>
      %get3A_99 = arith.constant 0 : index
      %get3A_100 = arith.constant 0 : index
      %get3A_101 = vector.load %arg5[%get3A_99, %get3A_100] : memref<256x768xf32, #tpu.memory_space<vmem>>, vector<256x768xf32>
      %jit3A = arith.constant 1.000000e+00 : f32
      %jit3A_102 = arith.constant 0.000000e+00 : f32
      %broadcast_in_dim3A_103 = vector.broadcast %jit3A : f32 to vector<256x1xf32>
      %broadcast_in_dim3A_104 = vector.broadcast %jit3A_102 : f32 to vector<256x1xf32>
      %select_n3A = arith.select %and3A_98, %broadcast_in_dim3A_103, %broadcast_in_dim3A_104 : vector<256x1xi1>, vector<256x1xf32>
      %get3A_105 = arith.constant 0 : index
      %get3A_106 = arith.constant 0 : index
      %get3A_107 = vector.load %arg2[%get3A_105, %get3A_106] : memref<256x768xf32, #tpu.memory_space<vmem>>, vector<256x768xf32>
      %get3A_108 = arith.constant 7 : index
      %get3A_109 = arith.constant 0 : index
      %get3A_110 = arith.constant 0 : index
      %get3A_111 = vector.load %arg3[%get3A_108, %get3A_109, %get3A_110] : memref<8x768x768xf32, #tpu.memory_space<vmem>>, vector<1x768x768xf32>
      %get3A_112 = vector.shape_cast %get3A_111 : vector<1x768x768xf32> to vector<768x768xf32>
      %dot_general3A = arith.constant dense<0.000000e+00> : vector<256x768xf32>
      %dot_general3A_113 = tpu.matmul %get3A_107, %get3A_112, %dot_general3A {dimension_numbers = #tpu.dot_dimension_numbers<[1], [0], [0], [1], [0, 0, 1, 1], [], []>, transpose_lhs_hint = false} : vector<256x768xf32>, vector<768x768xf32>, vector<256x768xf32> -> vector<256x768xf32>
      %get3A_114 = arith.constant 7 : index
      %get3A_115 = arith.constant 0 : index
      %get3A_116 = vector.load %arg4[%get3A_114, %get3A_115] : memref<8x768xf32, #tpu.memory_space<vmem>>, vector<1x768xf32>
      %get3A_117 = vector.shape_cast %get3A_116 : vector<1x768xf32> to vector<768xf32>
      %broadcast_in_dim3A_118 = vector.shape_cast %get3A_117 : vector<768xf32> to vector<1x768xf32>
      %add3A_119 = vector.broadcast %broadcast_in_dim3A_118 : vector<1x768xf32> to vector<256x768xf32>
      %add3A_120 = arith.addf %dot_general3A_113, %add3A_119 : vector<256x768xf32>
      %mul3A_121 = vector.broadcast %select_n3A : vector<256x1xf32> to vector<256x768xf32>
      %mul3A_122 = arith.mulf %mul3A_121, %add3A_120 : vector<256x768xf32>
      %add3A_123 = arith.addf %get3A_101, %mul3A_122 : vector<256x768xf32>
      %swap3A_124 = arith.constant 0 : index
      %swap3A_125 = arith.constant 0 : index
      %swap3A_126 = vector.load %arg5[%swap3A_124, %swap3A_125] : memref<256x768xf32, #tpu.memory_space<vmem>>, vector<256x768xf32>
      tpu.vector_store %arg5[%swap3A_124, %swap3A_125], %add3A_123 {strides = array<i32>} : memref<256x768xf32, #tpu.memory_space<vmem>>, vector<256x768xf32>,
    } else {
    }
    return
  }
  func.func @transform_0(%arg0: i32, %arg1: memref<128xi32, #tpu.memory_space<smem>>) -> (i32, i32) {
    %c0_i32 = arith.constant 0 : i32
    %c0_i32_0 = arith.constant 0 : i32
    return %arg0, %c0_i32 : i32, i32
  }
  func.func @transform_1(%arg0: i32, %arg1: memref<128xi32, #tpu.memory_space<smem>>) -> (i32, i32, i32) {
    %c0_i32 = arith.constant 0 : i32
    %c0_i32_0 = arith.constant 0 : i32
    %c0_i32_1 = arith.constant 0 : i32
    %c0_i32_2 = arith.constant 0 : i32
    return %c0_i32, %c0_i32_0, %c0_i32_1 : i32, i32, i32
  }
  func.func @transform_2(%arg0: i32, %arg1: memref<128xi32, #tpu.memory_space<smem>>) -> (i32, i32) {
    %c0_i32 = arith.constant 0 : i32
    %c0_i32_0 = arith.constant 0 : i32
    %c0_i32_1 = arith.constant 0 : i32
    return %c0_i32, %c0_i32_0 : i32, i32
  }
  func.func @transform_3(%arg0: i32, %arg1: memref<128xi32, #tpu.memory_space<smem>>) -> (i32, i32) {
    %c0_i32 = arith.constant 0 : i32
    %c0_i32_0 = arith.constant 0 : i32
    return %arg0, %c0_i32 : i32, i32
  }
}

module attributes {stable_mosaic.version = 14 : i64} {
  func.func @_routing_body(%arg0: i32, %arg1: memref<2048x768xf32, #tpu.memory_space<vmem>>, %arg2: memref<768x128xf32, #tpu.memory_space<vmem>>, %arg3: memref<2048x1xi32, #tpu.memory_space<vmem>>, %arg4: memref<2048x1xi32, #tpu.memory_space<vmem>>, %arg5: memref<2048x16xf32, #tpu.memory_space<vmem>>, %arg6: memref<2048x16xf32, #tpu.memory_space<vmem>>, %arg7: memref<1x128xi32, #tpu.memory_space<vmem>>) attributes {dimension_semantics = [#tpu.dimension_semantics<arbitrary>], iteration_bounds = array<i64: 1>, scalar_prefetch = 0 : i64, scratch_operands = 0 : i64, tpu.core_type = #tpu.core_type<tc>, window_params = [{pipeline_mode = #tpu.pipeline_mode<synchronous>, transform_indices = @transform_0, window_bounds = array<i64: 2048, 768>}, {pipeline_mode = #tpu.pipeline_mode<synchronous>, transform_indices = @transform_1, window_bounds = array<i64: 768, 128>}, {pipeline_mode = #tpu.pipeline_mode<synchronous>, transform_indices = @transform_2, window_bounds = array<i64: 2048, 1>}, {pipeline_mode = #tpu.pipeline_mode<synchronous>, transform_indices = @transform_3, window_bounds = array<i64: 2048, 1>}, {pipeline_mode = #tpu.pipeline_mode<synchronous>, transform_indices = @transform_4, window_bounds = array<i64: 2048, 16>}, {pipeline_mode = #tpu.pipeline_mode<synchronous>, transform_indices = @transform_5, window_bounds = array<i64: 2048, 16>}, {pipeline_mode = #tpu.pipeline_mode<synchronous>, transform_indices = @transform_6, window_bounds = array<i64: 1, 128>}]} {
    %get3A = arith.constant 0 : index
    %get3A_0 = arith.constant 0 : index
    %get3A_1 = vector.load %arg1[%get3A, %get3A_0] : memref<2048x768xf32, #tpu.memory_space<vmem>>, vector<2048x768xf32>
    %get3A_2 = arith.constant 0 : index
    %get3A_3 = arith.constant 0 : index
    %get3A_4 = vector.load %arg2[%get3A_2, %get3A_3] : memref<768x128xf32, #tpu.memory_space<vmem>>, vector<768x128xf32>
    %dot_general3A = arith.constant dense<0.000000e+00> : vector<2048x128xf32>
    %dot_general3A_5 = tpu.matmul %get3A_1, %get3A_4, %dot_general3A {dimension_numbers = #tpu.dot_dimension_numbers<[1], [0], [0], [1], [0, 0, 1, 1], [], []>, transpose_lhs_hint = false} : vector<2048x768xf32>, vector<768x128xf32>, vector<2048x128xf32> -> vector<2048x128xf32>
    %iota3A = tpu.iota {dimensions = array<i32: 1>} : vector<2048x128xi32>
    %lt3A = arith.constant 8 : i32
    %lt3A_6 = vector.broadcast %lt3A : i32 to vector<2048x128xi32>
    %lt3A_7 = arith.cmpi slt, %iota3A, %lt3A_6 : vector<2048x128xi32>
    %jit3A = arith.constant -1.000000e+30 : f32
    %broadcast_in_dim3A = vector.broadcast %jit3A : f32 to vector<2048x128xf32>
    %select_n3A = arith.select %lt3A_7, %dot_general3A_5, %broadcast_in_dim3A : vector<2048x128xi1>, vector<2048x128xf32>
    %reduce_max3A = arith.constant dense<0xFF800000> : vector<2048xf32>
    %reduce_max3A_8 = vector.multi_reduction <maximumf>, %select_n3A, %reduce_max3A [1] : vector<2048x128xf32> to vector<2048xf32>
    %broadcast_in_dim3A_9 = vector.shape_cast %reduce_max3A_8 : vector<2048xf32> to vector<2048x1xf32>
    %eq3A = vector.broadcast %broadcast_in_dim3A_9 : vector<2048x1xf32> to vector<2048x128xf32>
    %eq3A_10 = arith.cmpf oeq, %select_n3A, %eq3A : vector<2048x128xf32>
    %jit3A_11 = arith.constant 128 : i32
    %broadcast_in_dim3A_12 = vector.broadcast %jit3A_11 : i32 to vector<2048x128xi32>
    %select_n3A_13 = arith.select %eq3A_10, %iota3A, %broadcast_in_dim3A_12 : vector<2048x128xi1>, vector<2048x128xi32>
    %reduce_min3A = arith.constant dense<2147483647> : vector<2048xi32>
    %reduce_min3A_14 = vector.multi_reduction <minsi>, %select_n3A_13, %reduce_min3A [1] : vector<2048x128xi32> to vector<2048xi32>
    %broadcast_in_dim3A_15 = vector.shape_cast %reduce_min3A_14 : vector<2048xi32> to vector<2048x1xi32>
    %eq3A_16 = vector.broadcast %broadcast_in_dim3A_15 : vector<2048x1xi32> to vector<2048x128xi32>
    %eq3A_17 = arith.cmpi eq, %iota3A, %eq3A_16 : vector<2048x128xi32>
    %jit3A_18 = arith.constant -1.000000e+30 : f32
    %broadcast_in_dim3A_19 = vector.broadcast %jit3A_18 : f32 to vector<2048x128xf32>
    %select_n3A_20 = arith.select %eq3A_17, %broadcast_in_dim3A_19, %select_n3A : vector<2048x128xi1>, vector<2048x128xf32>
    %reduce_max3A_21 = arith.constant dense<0xFF800000> : vector<2048xf32>
    %reduce_max3A_22 = vector.multi_reduction <maximumf>, %select_n3A_20, %reduce_max3A_21 [1] : vector<2048x128xf32> to vector<2048xf32>
    %broadcast_in_dim3A_23 = vector.shape_cast %reduce_max3A_22 : vector<2048xf32> to vector<2048x1xf32>
    %eq3A_24 = vector.broadcast %broadcast_in_dim3A_23 : vector<2048x1xf32> to vector<2048x128xf32>
    %eq3A_25 = arith.cmpf oeq, %select_n3A_20, %eq3A_24 : vector<2048x128xf32>
    %jit3A_26 = arith.constant 128 : i32
    %broadcast_in_dim3A_27 = vector.broadcast %jit3A_26 : i32 to vector<2048x128xi32>
    %select_n3A_28 = arith.select %eq3A_25, %iota3A, %broadcast_in_dim3A_27 : vector<2048x128xi1>, vector<2048x128xi32>
    %reduce_min3A_29 = arith.constant dense<2147483647> : vector<2048xi32>
    %reduce_min3A_30 = vector.multi_reduction <minsi>, %select_n3A_28, %reduce_min3A_29 [1] : vector<2048x128xi32> to vector<2048xi32>
    %broadcast_in_dim3A_31 = vector.shape_cast %reduce_min3A_30 : vector<2048xi32> to vector<2048x1xi32>
    %sub3A = arith.subf %broadcast_in_dim3A_23, %broadcast_in_dim3A_9 : vector<2048x1xf32>
    %exp3A = math.exp %sub3A : vector<2048x1xf32>
    %add3A = arith.constant 1.000000e+00 : f32
    %add3A_32 = vector.broadcast %add3A : f32 to vector<2048x1xf32>
    %add3A_33 = arith.addf %add3A_32, %exp3A : vector<2048x1xf32>
    %div3A = arith.constant 1.000000e+00 : f32
    %div3A_34 = vector.broadcast %div3A : f32 to vector<2048x1xf32>
    %div3A_35 = arith.divf %div3A_34, %add3A_33 : vector<2048x1xf32>
    %sub3A_36 = arith.constant 1.000000e+00 : f32
    %sub3A_37 = vector.broadcast %sub3A_36 : f32 to vector<2048x1xf32>
    %sub3A_38 = arith.subf %sub3A_37, %div3A_35 : vector<2048x1xf32>
    %eq3A_39 = vector.broadcast %broadcast_in_dim3A_15 : vector<2048x1xi32> to vector<2048x128xi32>
    %eq3A_40 = arith.cmpi eq, %iota3A, %eq3A_39 : vector<2048x128xi32>
    %convert_element_type3A = arith.extui %eq3A_40 : vector<2048x128xi1> to vector<2048x128xi32>
    %eq3A_41 = vector.broadcast %broadcast_in_dim3A_31 : vector<2048x1xi32> to vector<2048x128xi32>
    %eq3A_42 = arith.cmpi eq, %iota3A, %eq3A_41 : vector<2048x128xi32>
    %convert_element_type3A_43 = arith.extui %eq3A_42 : vector<2048x128xi1> to vector<2048x128xi32>
    %broadcast_in_dim3A_44 = arith.constant 0 : i32
    %broadcast_in_dim3A_45 = vector.broadcast %broadcast_in_dim3A_44 : i32 to vector<1x128xi32>
    %slice3A = vector.extract_strided_slice %convert_element_type3A {offsets = [0, 0], sizes = [2047, 128], strides = [1, 1]} : vector<2048x128xi32> to vector<2047x128xi32>
    %concatenate3A = tpu.concatenate %broadcast_in_dim3A_45, %slice3A in 0 : vector<1x128xi32>, vector<2047x128xi32> -> vector<2048x128xi32>
    %add3A_46 = arith.addi %convert_element_type3A, %concatenate3A : vector<2048x128xi32>
    %broadcast_in_dim3A_47 = arith.constant 0 : i32
    %broadcast_in_dim3A_48 = vector.broadcast %broadcast_in_dim3A_47 : i32 to vector<2x128xi32>
    %slice3A_49 = vector.extract_strided_slice %add3A_46 {offsets = [0, 0], sizes = [2046, 128], strides = [1, 1]} : vector<2048x128xi32> to vector<2046x128xi32>
    %concatenate3A_50 = tpu.concatenate %broadcast_in_dim3A_48, %slice3A_49 in 0 : vector<2x128xi32>, vector<2046x128xi32> -> vector<2048x128xi32>
    %add3A_51 = arith.addi %add3A_46, %concatenate3A_50 : vector<2048x128xi32>
    %broadcast_in_dim3A_52 = arith.constant 0 : i32
    %broadcast_in_dim3A_53 = vector.broadcast %broadcast_in_dim3A_52 : i32 to vector<4x128xi32>
    %slice3A_54 = vector.extract_strided_slice %add3A_51 {offsets = [0, 0], sizes = [2044, 128], strides = [1, 1]} : vector<2048x128xi32> to vector<2044x128xi32>
    %concatenate3A_55 = tpu.concatenate %broadcast_in_dim3A_53, %slice3A_54 in 0 : vector<4x128xi32>, vector<2044x128xi32> -> vector<2048x128xi32>
    %add3A_56 = arith.addi %add3A_51, %concatenate3A_55 : vector<2048x128xi32>
    %broadcast_in_dim3A_57 = arith.constant 0 : i32
    %broadcast_in_dim3A_58 = vector.broadcast %broadcast_in_dim3A_57 : i32 to vector<8x128xi32>
    %slice3A_59 = vector.extract_strided_slice %add3A_56 {offsets = [0, 0], sizes = [2040, 128], strides = [1, 1]} : vector<2048x128xi32> to vector<2040x128xi32>
    %concatenate3A_60 = tpu.concatenate %broadcast_in_dim3A_58, %slice3A_59 in 0 : vector<8x128xi32>, vector<2040x128xi32> -> vector<2048x128xi32>
    %add3A_61 = arith.addi %add3A_56, %concatenate3A_60 : vector<2048x128xi32>
    %broadcast_in_dim3A_62 = arith.constant 0 : i32
    %broadcast_in_dim3A_63 = vector.broadcast %broadcast_in_dim3A_62 : i32 to vector<16x128xi32>
    %slice3A_64 = vector.extract_strided_slice %add3A_61 {offsets = [0, 0], sizes = [2032, 128], strides = [1, 1]} : vector<2048x128xi32> to vector<2032x128xi32>
    %concatenate3A_65 = tpu.concatenate %broadcast_in_dim3A_63, %slice3A_64 in 0 : vector<16x128xi32>, vector<2032x128xi32> -> vector<2048x128xi32>
    %add3A_66 = arith.addi %add3A_61, %concatenate3A_65 : vector<2048x128xi32>
    %broadcast_in_dim3A_67 = arith.constant 0 : i32
    %broadcast_in_dim3A_68 = vector.broadcast %broadcast_in_dim3A_67 : i32 to vector<32x128xi32>
    %slice3A_69 = vector.extract_strided_slice %add3A_66 {offsets = [0, 0], sizes = [2016, 128], strides = [1, 1]} : vector<2048x128xi32> to vector<2016x128xi32>
    %concatenate3A_70 = tpu.concatenate %broadcast_in_dim3A_68, %slice3A_69 in 0 : vector<32x128xi32>, vector<2016x128xi32> -> vector<2048x128xi32>
    %add3A_71 = arith.addi %add3A_66, %concatenate3A_70 : vector<2048x128xi32>
    %broadcast_in_dim3A_72 = arith.constant 0 : i32
    %broadcast_in_dim3A_73 = vector.broadcast %broadcast_in_dim3A_72 : i32 to vector<64x128xi32>
    %slice3A_74 = vector.extract_strided_slice %add3A_71 {offsets = [0, 0], sizes = [1984, 128], strides = [1, 1]} : vector<2048x128xi32> to vector<1984x128xi32>
    %concatenate3A_75 = tpu.concatenate %broadcast_in_dim3A_73, %slice3A_74 in 0 : vector<64x128xi32>, vector<1984x128xi32> -> vector<2048x128xi32>
    %add3A_76 = arith.addi %add3A_71, %concatenate3A_75 : vector<2048x128xi32>
    %broadcast_in_dim3A_77 = arith.constant 0 : i32
    %broadcast_in_dim3A_78 = vector.broadcast %broadcast_in_dim3A_77 : i32 to vector<128x128xi32>
    %slice3A_79 = vector.extract_strided_slice %add3A_76 {offsets = [0, 0], sizes = [1920, 128], strides = [1, 1]} : vector<2048x128xi32> to vector<1920x128xi32>
    %concatenate3A_80 = tpu.concatenate %broadcast_in_dim3A_78, %slice3A_79 in 0 : vector<128x128xi32>, vector<1920x128xi32> -> vector<2048x128xi32>
    %add3A_81 = arith.addi %add3A_76, %concatenate3A_80 : vector<2048x128xi32>
    %broadcast_in_dim3A_82 = arith.constant 0 : i32
    %broadcast_in_dim3A_83 = vector.broadcast %broadcast_in_dim3A_82 : i32 to vector<256x128xi32>
    %slice3A_84 = vector.extract_strided_slice %add3A_81 {offsets = [0, 0], sizes = [1792, 128], strides = [1, 1]} : vector<2048x128xi32> to vector<1792x128xi32>
    %concatenate3A_85 = tpu.concatenate %broadcast_in_dim3A_83, %slice3A_84 in 0 : vector<256x128xi32>, vector<1792x128xi32> -> vector<2048x128xi32>
    %add3A_86 = arith.addi %add3A_81, %concatenate3A_85 : vector<2048x128xi32>
    %broadcast_in_dim3A_87 = arith.constant 0 : i32
    %broadcast_in_dim3A_88 = vector.broadcast %broadcast_in_dim3A_87 : i32 to vector<512x128xi32>
    %slice3A_89 = vector.extract_strided_slice %add3A_86 {offsets = [0, 0], sizes = [1536, 128], strides = [1, 1]} : vector<2048x128xi32> to vector<1536x128xi32>
    %concatenate3A_90 = tpu.concatenate %broadcast_in_dim3A_88, %slice3A_89 in 0 : vector<512x128xi32>, vector<1536x128xi32> -> vector<2048x128xi32>
    %add3A_91 = arith.addi %add3A_86, %concatenate3A_90 : vector<2048x128xi32>
    %broadcast_in_dim3A_92 = arith.constant 0 : i32
    %broadcast_in_dim3A_93 = vector.broadcast %broadcast_in_dim3A_92 : i32 to vector<1024x128xi32>
    %slice3A_94 = vector.extract_strided_slice %add3A_91 {offsets = [0, 0], sizes = [1024, 128], strides = [1, 1]} : vector<2048x128xi32> to vector<1024x128xi32>
    %concatenate3A_95 = tpu.concatenate %broadcast_in_dim3A_93, %slice3A_94 in 0 : vector<1024x128xi32>, vector<1024x128xi32> -> vector<2048x128xi32>
    %add3A_96 = arith.addi %add3A_91, %concatenate3A_95 : vector<2048x128xi32>
    %broadcast_in_dim3A_97 = arith.constant 0 : i32
    %broadcast_in_dim3A_98 = vector.broadcast %broadcast_in_dim3A_97 : i32 to vector<1x128xi32>
    %slice3A_99 = vector.extract_strided_slice %convert_element_type3A_43 {offsets = [0, 0], sizes = [2047, 128], strides = [1, 1]} : vector<2048x128xi32> to vector<2047x128xi32>
    %concatenate3A_100 = tpu.concatenate %broadcast_in_dim3A_98, %slice3A_99 in 0 : vector<1x128xi32>, vector<2047x128xi32> -> vector<2048x128xi32>
    %add3A_101 = arith.addi %convert_element_type3A_43, %concatenate3A_100 : vector<2048x128xi32>
    %broadcast_in_dim3A_102 = arith.constant 0 : i32
    %broadcast_in_dim3A_103 = vector.broadcast %broadcast_in_dim3A_102 : i32 to vector<2x128xi32>
    %slice3A_104 = vector.extract_strided_slice %add3A_101 {offsets = [0, 0], sizes = [2046, 128], strides = [1, 1]} : vector<2048x128xi32> to vector<2046x128xi32>
    %concatenate3A_105 = tpu.concatenate %broadcast_in_dim3A_103, %slice3A_104 in 0 : vector<2x128xi32>, vector<2046x128xi32> -> vector<2048x128xi32>
    %add3A_106 = arith.addi %add3A_101, %concatenate3A_105 : vector<2048x128xi32>
    %broadcast_in_dim3A_107 = arith.constant 0 : i32
    %broadcast_in_dim3A_108 = vector.broadcast %broadcast_in_dim3A_107 : i32 to vector<4x128xi32>
    %slice3A_109 = vector.extract_strided_slice %add3A_106 {offsets = [0, 0], sizes = [2044, 128], strides = [1, 1]} : vector<2048x128xi32> to vector<2044x128xi32>
    %concatenate3A_110 = tpu.concatenate %broadcast_in_dim3A_108, %slice3A_109 in 0 : vector<4x128xi32>, vector<2044x128xi32> -> vector<2048x128xi32>
    %add3A_111 = arith.addi %add3A_106, %concatenate3A_110 : vector<2048x128xi32>
    %broadcast_in_dim3A_112 = arith.constant 0 : i32
    %broadcast_in_dim3A_113 = vector.broadcast %broadcast_in_dim3A_112 : i32 to vector<8x128xi32>
    %slice3A_114 = vector.extract_strided_slice %add3A_111 {offsets = [0, 0], sizes = [2040, 128], strides = [1, 1]} : vector<2048x128xi32> to vector<2040x128xi32>
    %concatenate3A_115 = tpu.concatenate %broadcast_in_dim3A_113, %slice3A_114 in 0 : vector<8x128xi32>, vector<2040x128xi32> -> vector<2048x128xi32>
    %add3A_116 = arith.addi %add3A_111, %concatenate3A_115 : vector<2048x128xi32>
    %broadcast_in_dim3A_117 = arith.constant 0 : i32
    %broadcast_in_dim3A_118 = vector.broadcast %broadcast_in_dim3A_117 : i32 to vector<16x128xi32>
    %slice3A_119 = vector.extract_strided_slice %add3A_116 {offsets = [0, 0], sizes = [2032, 128], strides = [1, 1]} : vector<2048x128xi32> to vector<2032x128xi32>
    %concatenate3A_120 = tpu.concatenate %broadcast_in_dim3A_118, %slice3A_119 in 0 : vector<16x128xi32>, vector<2032x128xi32> -> vector<2048x128xi32>
    %add3A_121 = arith.addi %add3A_116, %concatenate3A_120 : vector<2048x128xi32>
    %broadcast_in_dim3A_122 = arith.constant 0 : i32
    %broadcast_in_dim3A_123 = vector.broadcast %broadcast_in_dim3A_122 : i32 to vector<32x128xi32>
    %slice3A_124 = vector.extract_strided_slice %add3A_121 {offsets = [0, 0], sizes = [2016, 128], strides = [1, 1]} : vector<2048x128xi32> to vector<2016x128xi32>
    %concatenate3A_125 = tpu.concatenate %broadcast_in_dim3A_123, %slice3A_124 in 0 : vector<32x128xi32>, vector<2016x128xi32> -> vector<2048x128xi32>
    %add3A_126 = arith.addi %add3A_121, %concatenate3A_125 : vector<2048x128xi32>
    %broadcast_in_dim3A_127 = arith.constant 0 : i32
    %broadcast_in_dim3A_128 = vector.broadcast %broadcast_in_dim3A_127 : i32 to vector<64x128xi32>
    %slice3A_129 = vector.extract_strided_slice %add3A_126 {offsets = [0, 0], sizes = [1984, 128], strides = [1, 1]} : vector<2048x128xi32> to vector<1984x128xi32>
    %concatenate3A_130 = tpu.concatenate %broadcast_in_dim3A_128, %slice3A_129 in 0 : vector<64x128xi32>, vector<1984x128xi32> -> vector<2048x128xi32>
    %add3A_131 = arith.addi %add3A_126, %concatenate3A_130 : vector<2048x128xi32>
    %broadcast_in_dim3A_132 = arith.constant 0 : i32
    %broadcast_in_dim3A_133 = vector.broadcast %broadcast_in_dim3A_132 : i32 to vector<128x128xi32>
    %slice3A_134 = vector.extract_strided_slice %add3A_131 {offsets = [0, 0], sizes = [1920, 128], strides = [1, 1]} : vector<2048x128xi32> to vector<1920x128xi32>
    %concatenate3A_135 = tpu.concatenate %broadcast_in_dim3A_133, %slice3A_134 in 0 : vector<128x128xi32>, vector<1920x128xi32> -> vector<2048x128xi32>
    %add3A_136 = arith.addi %add3A_131, %concatenate3A_135 : vector<2048x128xi32>
    %broadcast_in_dim3A_137 = arith.constant 0 : i32
    %broadcast_in_dim3A_138 = vector.broadcast %broadcast_in_dim3A_137 : i32 to vector<256x128xi32>
    %slice3A_139 = vector.extract_strided_slice %add3A_136 {offsets = [0, 0], sizes = [1792, 128], strides = [1, 1]} : vector<2048x128xi32> to vector<1792x128xi32>
    %concatenate3A_140 = tpu.concatenate %broadcast_in_dim3A_138, %slice3A_139 in 0 : vector<256x128xi32>, vector<1792x128xi32> -> vector<2048x128xi32>
    %add3A_141 = arith.addi %add3A_136, %concatenate3A_140 : vector<2048x128xi32>
    %broadcast_in_dim3A_142 = arith.constant 0 : i32
    %broadcast_in_dim3A_143 = vector.broadcast %broadcast_in_dim3A_142 : i32 to vector<512x128xi32>
    %slice3A_144 = vector.extract_strided_slice %add3A_141 {offsets = [0, 0], sizes = [1536, 128], strides = [1, 1]} : vector<2048x128xi32> to vector<1536x128xi32>
    %concatenate3A_145 = tpu.concatenate %broadcast_in_dim3A_143, %slice3A_144 in 0 : vector<512x128xi32>, vector<1536x128xi32> -> vector<2048x128xi32>
    %add3A_146 = arith.addi %add3A_141, %concatenate3A_145 : vector<2048x128xi32>
    %broadcast_in_dim3A_147 = arith.constant 0 : i32
    %broadcast_in_dim3A_148 = vector.broadcast %broadcast_in_dim3A_147 : i32 to vector<1024x128xi32>
    %slice3A_149 = vector.extract_strided_slice %add3A_146 {offsets = [0, 0], sizes = [1024, 128], strides = [1, 1]} : vector<2048x128xi32> to vector<1024x128xi32>
    %concatenate3A_150 = tpu.concatenate %broadcast_in_dim3A_148, %slice3A_149 in 0 : vector<1024x128xi32>, vector<1024x128xi32> -> vector<2048x128xi32>
    %add3A_151 = arith.addi %add3A_146, %concatenate3A_150 : vector<2048x128xi32>
    %slice3A_152 = vector.extract_strided_slice %add3A_96 {offsets = [2047, 0], sizes = [1, 128], strides = [1, 1]} : vector<2048x128xi32> to vector<1x128xi32>
    %slice3A_153 = vector.extract_strided_slice %add3A_151 {offsets = [2047, 0], sizes = [1, 128], strides = [1, 1]} : vector<2048x128xi32> to vector<1x128xi32>
    %add3A_154 = arith.addi %slice3A_152, %slice3A_153 : vector<1x128xi32>
    %broadcast_in_dim3A_155 = arith.constant 0 : i32
    %broadcast_in_dim3A_156 = vector.broadcast %broadcast_in_dim3A_155 : i32 to vector<1x1xi32>
    %slice3A_157 = vector.extract_strided_slice %add3A_154 {offsets = [0, 0], sizes = [1, 127], strides = [1, 1]} : vector<1x128xi32> to vector<1x127xi32>
    %concatenate3A_158 = tpu.concatenate %broadcast_in_dim3A_156, %slice3A_157 in 1 : vector<1x1xi32>, vector<1x127xi32> -> vector<1x128xi32>
    %broadcast_in_dim3A_159 = arith.constant 0 : i32
    %broadcast_in_dim3A_160 = vector.broadcast %broadcast_in_dim3A_159 : i32 to vector<1x1xi32>
    %slice3A_161 = vector.extract_strided_slice %concatenate3A_158 {offsets = [0, 0], sizes = [1, 127], strides = [1, 1]} : vector<1x128xi32> to vector<1x127xi32>
    %concatenate3A_162 = tpu.concatenate %broadcast_in_dim3A_160, %slice3A_161 in 1 : vector<1x1xi32>, vector<1x127xi32> -> vector<1x128xi32>
    %add3A_163 = arith.addi %concatenate3A_158, %concatenate3A_162 : vector<1x128xi32>
    %broadcast_in_dim3A_164 = arith.constant 0 : i32
    %broadcast_in_dim3A_165 = vector.broadcast %broadcast_in_dim3A_164 : i32 to vector<1x2xi32>
    %slice3A_166 = vector.extract_strided_slice %add3A_163 {offsets = [0, 0], sizes = [1, 126], strides = [1, 1]} : vector<1x128xi32> to vector<1x126xi32>
    %concatenate3A_167 = tpu.concatenate %broadcast_in_dim3A_165, %slice3A_166 in 1 : vector<1x2xi32>, vector<1x126xi32> -> vector<1x128xi32>
    %add3A_168 = arith.addi %add3A_163, %concatenate3A_167 : vector<1x128xi32>
    %broadcast_in_dim3A_169 = arith.constant 0 : i32
    %broadcast_in_dim3A_170 = vector.broadcast %broadcast_in_dim3A_169 : i32 to vector<1x4xi32>
    %slice3A_171 = vector.extract_strided_slice %add3A_168 {offsets = [0, 0], sizes = [1, 124], strides = [1, 1]} : vector<1x128xi32> to vector<1x124xi32>
    %concatenate3A_172 = tpu.concatenate %broadcast_in_dim3A_170, %slice3A_171 in 1 : vector<1x4xi32>, vector<1x124xi32> -> vector<1x128xi32>
    %add3A_173 = arith.addi %add3A_168, %concatenate3A_172 : vector<1x128xi32>
    %broadcast_in_dim3A_174 = arith.constant 0 : i32
    %broadcast_in_dim3A_175 = vector.broadcast %broadcast_in_dim3A_174 : i32 to vector<1x8xi32>
    %slice3A_176 = vector.extract_strided_slice %add3A_173 {offsets = [0, 0], sizes = [1, 120], strides = [1, 1]} : vector<1x128xi32> to vector<1x120xi32>
    %concatenate3A_177 = tpu.concatenate %broadcast_in_dim3A_175, %slice3A_176 in 1 : vector<1x8xi32>, vector<1x120xi32> -> vector<1x128xi32>
    %add3A_178 = arith.addi %add3A_173, %concatenate3A_177 : vector<1x128xi32>
    %broadcast_in_dim3A_179 = arith.constant 0 : i32
    %broadcast_in_dim3A_180 = vector.broadcast %broadcast_in_dim3A_179 : i32 to vector<1x16xi32>
    %slice3A_181 = vector.extract_strided_slice %add3A_178 {offsets = [0, 0], sizes = [1, 112], strides = [1, 1]} : vector<1x128xi32> to vector<1x112xi32>
    %concatenate3A_182 = tpu.concatenate %broadcast_in_dim3A_180, %slice3A_181 in 1 : vector<1x16xi32>, vector<1x112xi32> -> vector<1x128xi32>
    %add3A_183 = arith.addi %add3A_178, %concatenate3A_182 : vector<1x128xi32>
    %broadcast_in_dim3A_184 = arith.constant 0 : i32
    %broadcast_in_dim3A_185 = vector.broadcast %broadcast_in_dim3A_184 : i32 to vector<1x32xi32>
    %slice3A_186 = vector.extract_strided_slice %add3A_183 {offsets = [0, 0], sizes = [1, 96], strides = [1, 1]} : vector<1x128xi32> to vector<1x96xi32>
    %concatenate3A_187 = tpu.concatenate %broadcast_in_dim3A_185, %slice3A_186 in 1 : vector<1x32xi32>, vector<1x96xi32> -> vector<1x128xi32>
    %add3A_188 = arith.addi %add3A_183, %concatenate3A_187 : vector<1x128xi32>
    %broadcast_in_dim3A_189 = arith.constant 0 : i32
    %broadcast_in_dim3A_190 = vector.broadcast %broadcast_in_dim3A_189 : i32 to vector<1x64xi32>
    %slice3A_191 = vector.extract_strided_slice %add3A_188 {offsets = [0, 0], sizes = [1, 64], strides = [1, 1]} : vector<1x128xi32> to vector<1x64xi32>
    %concatenate3A_192 = tpu.concatenate %broadcast_in_dim3A_190, %slice3A_191 in 1 : vector<1x64xi32>, vector<1x64xi32> -> vector<1x128xi32>
    %add3A_193 = arith.addi %add3A_188, %concatenate3A_192 : vector<1x128xi32>
    %add3A_194 = vector.broadcast %add3A_193 : vector<1x128xi32> to vector<2048x128xi32>
    %add3A_195 = arith.addi %add3A_194, %add3A_96 : vector<2048x128xi32>
    %sub3A_196 = arith.constant 1 : i32
    %sub3A_197 = vector.broadcast %sub3A_196 : i32 to vector<2048x128xi32>
    %sub3A_198 = arith.subi %add3A_195, %sub3A_197 : vector<2048x128xi32>
    %mul3A = arith.muli %convert_element_type3A, %sub3A_198 : vector<2048x128xi32>
    %reduce_sum3A = arith.constant dense<0> : vector<2048xi32>
    %reduce_sum3A_199 = vector.multi_reduction <add>, %mul3A, %reduce_sum3A [1] : vector<2048x128xi32> to vector<2048xi32>
    %broadcast_in_dim3A_200 = vector.shape_cast %reduce_sum3A_199 : vector<2048xi32> to vector<2048x1xi32>
    %add3A_201 = arith.addi %add3A_193, %slice3A_152 : vector<1x128xi32>
    %add3A_202 = vector.broadcast %add3A_201 : vector<1x128xi32> to vector<2048x128xi32>
    %add3A_203 = arith.addi %add3A_202, %add3A_151 : vector<2048x128xi32>
    %sub3A_204 = arith.constant 1 : i32
    %sub3A_205 = vector.broadcast %sub3A_204 : i32 to vector<2048x128xi32>
    %sub3A_206 = arith.subi %add3A_203, %sub3A_205 : vector<2048x128xi32>
    %mul3A_207 = arith.muli %convert_element_type3A_43, %sub3A_206 : vector<2048x128xi32>
    %reduce_sum3A_208 = arith.constant dense<0> : vector<2048xi32>
    %reduce_sum3A_209 = vector.multi_reduction <add>, %mul3A_207, %reduce_sum3A_208 [1] : vector<2048x128xi32> to vector<2048xi32>
    %broadcast_in_dim3A_210 = vector.shape_cast %reduce_sum3A_209 : vector<2048xi32> to vector<2048x1xi32>
    %swap3A = arith.constant 0 : index
    %swap3A_211 = arith.constant 0 : index
    %swap3A_212 = vector.load %arg3[%swap3A, %swap3A_211] : memref<2048x1xi32, #tpu.memory_space<vmem>>, vector<2048x1xi32>
    tpu.vector_store %arg3[%swap3A, %swap3A_211], %broadcast_in_dim3A_200 {strides = array<i32>} : memref<2048x1xi32, #tpu.memory_space<vmem>>, vector<2048x1xi32>,
    %swap3A_213 = arith.constant 0 : index
    %swap3A_214 = arith.constant 0 : index
    %swap3A_215 = vector.load %arg4[%swap3A_213, %swap3A_214] : memref<2048x1xi32, #tpu.memory_space<vmem>>, vector<2048x1xi32>
    tpu.vector_store %arg4[%swap3A_213, %swap3A_214], %broadcast_in_dim3A_210 {strides = array<i32>} : memref<2048x1xi32, #tpu.memory_space<vmem>>, vector<2048x1xi32>,
    %broadcast_in_dim3A_216 = vector.shape_cast %div3A_35 : vector<2048x1xf32> to vector<2048x1xf32>
    %broadcast_in_dim3A_217 = vector.broadcast %broadcast_in_dim3A_216 : vector<2048x1xf32> to vector<2048x16xf32>
    %swap3A_218 = arith.constant 0 : index
    %swap3A_219 = arith.constant 0 : index
    %swap3A_220 = vector.load %arg5[%swap3A_218, %swap3A_219] : memref<2048x16xf32, #tpu.memory_space<vmem>>, vector<2048x16xf32>
    tpu.vector_store %arg5[%swap3A_218, %swap3A_219], %broadcast_in_dim3A_217 {strides = array<i32>} : memref<2048x16xf32, #tpu.memory_space<vmem>>, vector<2048x16xf32>,
    %broadcast_in_dim3A_221 = vector.shape_cast %sub3A_38 : vector<2048x1xf32> to vector<2048x1xf32>
    %broadcast_in_dim3A_222 = vector.broadcast %broadcast_in_dim3A_221 : vector<2048x1xf32> to vector<2048x16xf32>
    %swap3A_223 = arith.constant 0 : index
    %swap3A_224 = arith.constant 0 : index
    %swap3A_225 = vector.load %arg6[%swap3A_223, %swap3A_224] : memref<2048x16xf32, #tpu.memory_space<vmem>>, vector<2048x16xf32>
    tpu.vector_store %arg6[%swap3A_223, %swap3A_224], %broadcast_in_dim3A_222 {strides = array<i32>} : memref<2048x16xf32, #tpu.memory_space<vmem>>, vector<2048x16xf32>,
    %swap3A_226 = arith.constant 0 : index
    %swap3A_227 = arith.constant 0 : index
    %swap3A_228 = vector.load %arg7[%swap3A_226, %swap3A_227] : memref<1x128xi32, #tpu.memory_space<vmem>>, vector<1x128xi32>
    tpu.vector_store %arg7[%swap3A_226, %swap3A_227], %add3A_193 {strides = array<i32>} : memref<1x128xi32, #tpu.memory_space<vmem>>, vector<1x128xi32>,
    return
  }
  func.func @transform_0(%arg0: i32) -> (i32, i32) {
    %c0_i32 = arith.constant 0 : i32
    %c0_i32_0 = arith.constant 0 : i32
    %c0_i32_1 = arith.constant 0 : i32
    return %c0_i32, %c0_i32_0 : i32, i32
  }
  func.func @transform_1(%arg0: i32) -> (i32, i32) {
    %c0_i32 = arith.constant 0 : i32
    %c0_i32_0 = arith.constant 0 : i32
    %c0_i32_1 = arith.constant 0 : i32
    return %c0_i32, %c0_i32_0 : i32, i32
  }
  func.func @transform_2(%arg0: i32) -> (i32, i32) {
    %c0_i32 = arith.constant 0 : i32
    %c0_i32_0 = arith.constant 0 : i32
    %c0_i32_1 = arith.constant 0 : i32
    return %c0_i32, %c0_i32_0 : i32, i32
  }
  func.func @transform_3(%arg0: i32) -> (i32, i32) {
    %c0_i32 = arith.constant 0 : i32
    %c0_i32_0 = arith.constant 0 : i32
    %c0_i32_1 = arith.constant 0 : i32
    return %c0_i32, %c0_i32_0 : i32, i32
  }
  func.func @transform_4(%arg0: i32) -> (i32, i32) {
    %c0_i32 = arith.constant 0 : i32
    %c0_i32_0 = arith.constant 0 : i32
    %c0_i32_1 = arith.constant 0 : i32
    return %c0_i32, %c0_i32_0 : i32, i32
  }
  func.func @transform_5(%arg0: i32) -> (i32, i32) {
    %c0_i32 = arith.constant 0 : i32
    %c0_i32_0 = arith.constant 0 : i32
    %c0_i32_1 = arith.constant 0 : i32
    return %c0_i32, %c0_i32_0 : i32, i32
  }
  func.func @transform_6(%arg0: i32) -> (i32, i32) {
    %c0_i32 = arith.constant 0 : i32
    %c0_i32_0 = arith.constant 0 : i32
    %c0_i32_1 = arith.constant 0 : i32
    return %c0_i32, %c0_i32_0 : i32, i32
  }
}

</mosaic_0001>

<sc_bundles>
// kernel: _moe.6.cloned.1.call-start
scs
__scs_entry_jumppad:
0x0: {  	(pc) =	sbr.rel $0x88, $3  }
0x1: {  	(tag) =	ssettag $0x0;
	lr =	simm.s32 $0x1  }
0x2: {  	[smem:$0x3F9D] =	sst lr;
	_ =	strace $0xD0000000  }
0x3: {  	_ = 	snop  }
0x4: {  	_ = 	snop  }
0x5: {  	_ = 	snop  }
0x6: {  	_ = 	snop  }
0x7: {  	_ = 	snop  }
__scs_overlays_trampoline_lowered:
0x8: {  	[smem:$0x3FAC] =	sst s0  }
0x9: {  	[smem:$0x3FAD] =	sst s1  }
0xa: {  	[smem:$0x3FAE] =	sst s2  }
0xb: {  	[smem:$0x3FAF] =	sst s3  }
0xc: {  	[smem:$0x3FB0] =	sst s4  }
0xd: {  	[smem:$0x3FB1] =	sst s5  }
0xe: {  	[smem:$0x3FB2] =	sst s6  }
0xf: {  	[smem:$0x3FB3] =	sst s7  }
0x10: {  	[smem:$0x3FB4] =	sst s8  }
0x11: {  	[smem:$0x3FB5] =	sst s9;
	s0 =	simm.s32 @!p0 $0x0  }
0x12: {  	s1 =	sld [smem:$0x3F9B];
	s0 =	simm.s32 @p0 $0x1  }
0x13: {  	[smem:$0x3FB6] =	sst s0;
	s0 =	simm.s32 @!p1 $0x0  }
0x14: {  	s2 =	sld [smem:$0x3F9A];
	s0 =	simm.s32 @p1 $0x1  }
0x15: {  	[smem:$0x3FB7] =	sst s0;
	s0 =	simm.s32 @!p2 $0x0  }
0x16: {  	s3 =	sld [smem:$0x3FDB];
	s0 =	simm.s32 @p2 $0x1  }
0x17: {  	s4 =	simm.s32 $0x1BF5;
	[smem:$0x3FB9] =	sst s0  }
0x18: {  	s0 =	sld [smem:$0x3F9C];
	_ =	swait.ge [sflag:s4], $0x0  }
0x19: {  	s7 =	sld [smem:$0x3F9D]  }
0x1a: {  	s8 =	sadd.s32 $0xFFFFE003, lr  }
0x1b: {  	s9 =	sadd.s32 $0xFFFFFEF7, lr;
	s5 =	simm.s32 $0xFFFFFFFF;
	p2 =	slt.u32 s8, $0xFFFFF086  }
0x1c: {  	p1 =	slt.u32 s9, $0xF7A;
	s5 =	simm.s32 @!p2 $0x0  }
0x1d: {  	s5 =	simm.s32 @p1 $0x1;
	p0 =	seq.s32 s7, s2  }
0x1e: {  	s7 =	smul.u32 @!p0 $0xF7A, s2;
	p2 =	seq.s32 @!p0 s5, $0x0  }
0x1f: {  	s9 =	smul.u32 $0xF7A, s1;
	s8 =	simm.s32 @!p0 $0x1BF5;
	p2 =	por !p2, p0  }
0x20: {  	[sflag:s8] =	ssyncset.s32 @!p0 $0xFFFFF086;
	s6 =	sadd.s32 @!p0 s3, s7;
	s7 =	simm.s32 @!p0 $0x108  }
0x21: {  	s3 =	sadd.s32 s3, s9;
	s6 =	sadd.s32 @!p0 $0x88, s6;
	s7 =	simm.s32 @p2 $0x1082  }
0x22: {  	[simem:s7], [sflag:s8] =	dma.local @!p0 [hbm:s6], $0xF7A  }
0x23: {  	s9 =	sor.u32 $0xD0000000, s2;
	s6 =	simm.s32 $0x108;
	_ =	swait.ge @!p0 [sflag:s8], $0x0  }
0x24: {  	s3 =	sadd.s32 $0x88, s3;
	s6 =	simm.s32 @!p1 $0x1082;
	[sflag:s4] =	ssyncset.s32 $0xFFFFF086  }
0x25: {  	[simem:s6], [sflag:s4] =	dma.local [hbm:s3], $0xF7A  }
0x26: {  	[smem:$0x3F9D] =	sst s1;
	(tag) =	ssettag s2;
	_ =	strace s9  }
0x27: {  	s1 =	sld [smem:$0x3FAD]  }
0x28: {  	s2 =	sld [smem:$0x3FAE]  }
0x29: {  	s4 =	sld [smem:$0x3FB0]  }
0x2a: {  	p0 =	seq.s32 s5, $0x0;
	s5 =	sld [smem:$0x3FB1]  }
0x2b: {  	s6 =	sld [smem:$0x3FB2]  }
0x2c: {  	s7 =	sld [smem:$0x3FB3]  }
0x2d: {  	s3 =	simm.s32 $0x108;
	s8 =	sld [smem:$0x3FB4]  }
0x2e: {  	s3 =	simm.s32 @!p0 $0x1082;
	s9 =	sld [smem:$0x3FB5]  }
0x2f: {  	lr =	sadd.s32 s0, s3;
	s0 =	sld [smem:$0x3FAC]  }
0x30: {  	s3 =	sld [smem:$0x3FAF]  }
0x31: {  	[smem:$0x3FB8] =	sst s10  }
0x32: {  	s10 =	sld [smem:$0x3FB6];
	_ =	sdelay $0x3  }
0x33: {  	p0 =	seq.s32 s10, $0x1;
	s10 =	sld [smem:$0x3FB8];
	_ =	sdelay $0x3  }
0x34: {  	[smem:$0x3FB8] =	sst s10  }
0x35: {  	s10 =	sld [smem:$0x3FB7];
	_ =	sdelay $0x3  }
0x36: {  	p1 =	seq.s32 s10, $0x1;
	s10 =	sld [smem:$0x3FB8];
	_ =	sdelay $0x3  }
0x37: {  	[smem:$0x3FB8] =	sst s10  }
0x38: {  	s10 =	sld [smem:$0x3FB9]  }
0x39: {  	_ = 	snop;
	(pc) =	sbr.ind lr, $3  }
0x3a: {  	_ = 	snop  }
0x3b: {  	_ = 	snop  }
0x3c: {  	p2 =	seq.s32 s10, $0x1;
	s10 =	sld [smem:$0x3FB8]  }
0x3d: {  	_ =	shalt  }
0x3e: {  	_ =	shalt  }
0x3f: {  	_ =	shalt  }
0x40: {  	_ =	shalt  }
0x41: {  	_ =	shalt  }
0x42: {  	_ =	shalt  }
0x43: {  	_ =	shalt  }
0x44: {  	_ =	shalt  }
0x45: {  	_ =	shalt  }
0x46: {  	_ =	shalt  }
0x47: {  	_ =	shalt  }
0x48: {  	_ =	shalt  }
0x49: {  	_ =	shalt  }
0x4a: {  	_ =	shalt  }
0x4b: {  	_ =	shalt  }
0x4c: {  	_ =	shalt  }
0x4d: {  	_ =	shalt  }
0x4e: {  	_ =	shalt  }
0x4f: {  	_ =	shalt  }
0x50: {  	_ =	shalt  }
0x51: {  	_ =	shalt  }
0x52: {  	_ =	shalt  }
0x53: {  	_ =	shalt  }
0x54: {  	_ =	shalt  }
0x55: {  	_ =	shalt  }
0x56: {  	_ =	shalt  }
0x57: {  	_ =	shalt  }
0x58: {  	_ =	shalt  }
0x59: {  	_ =	shalt  }
0x5a: {  	_ =	shalt  }
0x5b: {  	_ =	shalt  }
0x5c: {  	_ =	shalt  }
0x5d: {  	_ =	shalt  }
0x5e: {  	_ =	shalt  }
0x5f: {  	_ =	shalt  }
0x60: {  	_ =	shalt  }
0x61: {  	_ =	shalt  }
0x62: {  	_ =	shalt  }
0x63: {  	_ =	shalt  }
0x64: {  	_ =	shalt  }
0x65: {  	_ =	shalt  }
0x66: {  	_ =	shalt  }
0x67: {  	_ =	shalt  }
0x68: {  	_ =	shalt  }
0x69: {  	_ =	shalt  }
0x6a: {  	_ =	shalt  }
0x6b: {  	_ =	shalt  }
0x6c: {  	_ =	shalt  }
0x6d: {  	_ =	shalt  }
0x6e: {  	_ =	shalt  }
0x6f: {  	_ =	shalt  }
0x70: {  	_ =	shalt  }
0x71: {  	_ =	shalt  }
0x72: {  	_ =	shalt  }
0x73: {  	_ =	shalt  }
0x74: {  	_ =	shalt  }
0x75: {  	_ =	shalt  }
0x76: {  	_ =	shalt  }
0x77: {  	_ =	shalt  }
0x78: {  	_ =	shalt  }
0x79: {  	_ =	shalt  }
0x7a: {  	_ =	shalt  }
0x7b: {  	_ =	shalt  }
0x7c: {  	_ =	shalt  }
0x7d: {  	_ =	shalt  }
0x7e: {  	_ =	shalt  }
0x7f: {  	_ =	shalt  }
0x80: {  	_ =	shalt  }
0x81: {  	_ =	shalt  }
0x82: {  	_ =	shalt  }
0x83: {  	_ =	shalt  }
0x84: {  	_ =	shalt  }
0x85: {  	_ =	shalt  }
0x86: {  	_ =	shalt  }
0x87: {  	_ =	shalt  }
.Lfunc_end0:
.L_simem_size_0:
called_computation_lowered:
.L_overlay_start_0:
0x88: {  	s2 =	sld [smem:$0x3FD9]  }
0x89: {  	s3 =	sld [smem:$0x3FFE];
	_ =	sdelay $0x1  }
0x8a: {  	s1 =	srdreg.scid  }
0x8b: {  	s0 =	sand.u32 $0x1, s1  }
0x8c: {  	s17 =	sshll.u32 s0, $0xA;
	s2 =	sadd.s32 s3, s2  }
0x8d: {  	s2 =	sadd.s32 s2, s17  }
0x8e: {  	[smem:$0x3FC4] =	sst s2  }
0x8f: {  	_ = 	snop  }
0x90: {  	s2 =	sld [smem:$0x3FC9];
	(tm) =	ssettm $0x1  }
0x91: {  	s18 =	sld [smem:$0x3FFB];
	_ =	sdelay $0x3  }
0x92: {  	_ =	strace s18  }
0x93: {  	s3 =	sld [smem:$0x3FFC];
	_ =	sdelay $0x3  }
0x94: {  	_ =	strace s3  }
0x95: {  	s3 =	sld [smem:$0x3FFD];
	_ =	sdelay $0x3  }
0x96: {  	_ =	strace s3  }
0x97: {  	_ =	strace $0x8FFFFFFF  }
0x98: {  	s19 =	sld [smem:$0x3FDB];
	_ =	sdelay $0x1  }
0x99: {  	s4 =	simm.s32 $_scs_section_size  }
0x9a: {  	s5 =	simm.s32 $_size__tile_overlayer_lowered;
	s6 =	simm.s32 $_tile_overlayer_lowered  }
0x9b: {  	s22 =	simm.s32 $0x1BFF;
	s21 =	sshll.u32 s6, $0x1;
	s3 =	sadd.s32 s4, s19  }
0x9c: {  	s7 =	simm.s32 $0x0;
	s20 =	sshll.u32 s5, $0x1;
	s5 =	sadd.s32 s21, s3  }
0x9d: {  	[timem:s7], [sflag:s22] =	dma.local [hbm:s5], s20  }
0x9e: {  	_ =	swait.ge [sflag:s22], s20  }
0x9f: {  	s4 =	ssub.s32 $0x0, s20;
	[sflag:s22] =	ssyncset.done $0x0  }
0xa0: {  	[sflag:s22] =	ssyncadd.s32 s4;
	_ =	sdelay $0x1  }
0xa1: {  	s23 =	simm.s32 $0x1B8B  }
0xa2: {  	_ =	swait.ge [sflag:s23], $0x1  }
0xa3: {  	[sflag:s23] =	ssyncset.done $0x0  }
0xa4: {  	s25 =	simm.s32 $0x1B8E;
	s24 =	sld [smem:$0x3FFE];
	[sflag:s23] =	ssyncadd.s32 $0xFFFFFFFF  }
0xa5: {  	s26 =	simm.s32 $execute0_lowered;
	[smem:$0x3FD2] =	sst s25  }
0xa6: {  	s5 =	sshll.u32 s26, $0x1;
	_ =	strace $0x80000046;
	[dreg:$0x1] =	wrdreg $0xFFFFFFFF  }
0xa7: {  	s28 =	simm.s32 $_size_execute0_lowered;
	s3 =	sadd.s32 s3, s5;
	[dreg:$0x0] =	wrdreg $0x0  }
0xa8: {  	s5 =	sshll.u32 s28, $0x1;
	[dreg:$0x2] =	wrdreg s3  }
0xa9: {  	[dreg:$0x3] =	wrdreg s5  }
0xaa: {  	[dreg:$0x4] =	wrdreg $0xC0  }
0xab: {  	_ =	task [dreg:s7], $0x5FFFF  }
0xac: {  	[dreg:$0x1] =	wrdreg $0xFFFFFFFF  }
0xad: {  	[dreg:$0x0] =	wrdreg $0x60  }
0xae: {  	[dreg:$0x2] =	wrdreg s2  }
0xaf: {  	[dreg:$0x3] =	wrdreg s24  }
0xb0: {  	[dreg:$0x4] =	wrdreg $0x9  }
0xb1: {  	_ =	task.clear_ibuf [dreg:s7], $0x5FFFF;
	_ =	strace $0x90000046  }
0xb2: {  	s29 =	simm.s32 $0x9;
	_ =	strace $0x80000048  }
0xb3: {  	_ =	swait.ge [sflag:s29], $0x1  }
0xb4: {  	[sflag:s29] =	ssyncadd.s32 $0xFFFFFFFF  }
0xb5: {  	_ =	strace $0x90000048  }
0xb6: {  	_ =	sfence  }
0xb7: {  	s30 =	sld [smem:$0x0];
	_ =	sdelay $0x2  }
0xb8: {  	s31 =	sshll.u32 s1, $0xD;
	s1 =	sshrl.u32 s1, $0x2  }
0xb9: {  	s3 =	sand.u32 $0x4000, s31;
	s1 =	sadd.s32 s1, s30  }
0xba: {  	s0 =	sor.u32 s3, s0;
	s1 =	sshll.u32 s1, $0x11  }
0xbb: {  	s0 =	sor.u32 s1, s0  }
0xbc: {  	s0 =	sadd.s32 $0x8F2B, s0  }
0xbd: {  	[sflag:s0] =	ssyncadd.remote.s32 $0x1  }
0xbe: {  	_ =	sfence.sel $0xFFFF  }
0xbf: {  	[dreg:$0x0] =	wrdreg $0xFFFFFFFF;
	(pc) =	sbr.abs _section_cstart, $3  }
0xc0: {  	[dreg:$0x1] =	wrdreg $0xFFFFFFFF  }
0xc1: {  	_ =	task.clear_ibuf [dreg:s7], $0x2FFFF;
	_ =	strace $0x9FFFFFFF  }
0xc2: {  	(tm) =	ssettm $0x7FFFFFFF  }
0xc3: {  	_ =	shalt  }
tec
execute0_lowered:
.L_overlay_start_1:
0x0: {  	(tag) =	ssettag $0x1  }
0x1: {  	s0 =	rddreg [dreg:$0x0]  }
0x2: {  	s1 =	rddreg [dreg:$0x1];
	s2 =	srdreg.scid  }
0x3: {  	s3 =	stileid.u32;
	s26 =	simm.s32 $0x80;
	s9 =	simm.s32 $0x2  }
0x4: {  	s12 =	simm.s32 $0x1900;
	s13 =	simm.s32 $0x2100;
	s14 =	simm.s32 $0x2900  }
0x5: {  	s15 =	simm.s32 $0x3100;
	s16 =	simm.s32 $0x3900;
	s17 =	simm.s32 $0x4100  }
0x6: {  	s18 =	simm.s32 $0x4900;
	s19 =	simm.s32 $0x5100;
	s20 =	simm.s32 $0x5900  }
0x7: {  	s21 =	simm.s32 $0x6100;
	s22 =	simm.s32 $0x6900;
	s23 =	simm.s32 $0x7100  }
0x8: {  	s24 =	simm.s32 $0x7900;
	s28 =	simm.s32 $0x9100;
	s29 =	simm.s32 $0x9900  }
0x9: {  	s30 =	simm.s32 $0xA100;
	s31 =	simm.s32 $0xA900;
	s4 =	sand.u32 $0x1, s2  }
0xa: {  	s2 =	simm.s32 $0x0;
	s3 =	sshll.u32 s3, $0x4;
	s5 =	sshll.u32 s4, $0x3  }
0xb: {  	[smem:$0x7FF] =	sst s2;
	s4 =	ssub.s32 $0x2, s4;
	s5 =	sor.u32 s5, s3  }
0xc: {  	_ =	strace $0x80000047;
	s3 =	sadd.s32 $0x11000, s1;
	s8 =	sshrl.u32 s4, $0x1  }
0xd: {  	[dreg:$0x6] =	wrdreg s26;
	s26 =	simm.s32 $0x8900;
	s6 =	sadd.s32 s5, s1  }
0xe: {  	s5 =	smul.u32 $0x300, s5;
	s25 =	ssub.s32 s4, s8;
	s7 =	sadd.s32 $0x10C00, s6  }
0xf: {  	s4 =	sadd.s32 $0x11100, s1;
	s6 =	sadd.s32 $0x10E00, s6;
	[dreg:$0x3] =	wrdreg s7  }
0x10: {  	v2 =	vlaneseq.u32;
	s8 =	simm.s32 $0xB900;
	[dreg:$0x4] =	wrdreg s6;
	s0 =	sadd.s32 s0, s5  }
0x11: {  	vm0 =	vmmov $0xffff;
	v1 =	vshrl.u32 v2, $0x3;
	s5 =	sadd.s32 $0x11200, s1;
	s6 =	smax.u32 s25, $0x1;
	s7 =	simm.s32 $0x3  }
0x12: {  	v0 =	vand.u32 $0x7, v2;
	v2 =	vor.u32 $0x8, v2;
	v1 =	vmul.u32 $0x8, v1;
	s1 =	simm.s32 $0x100;
	s25 =	simm.s32 $0x8100;
	[dreg:$0x5] =	wrdreg s0  }
.LBB2_1:
0x13: {  	s10 =	rddreg [dreg:$0x3]  }
0x14: {  	[tilespmem:s2], [sflag:$0x3] =	stream.linear.gather [hbm4b:s10+s2], $0x40, $0x38;
	[tilespmem:$0xC100] =	vst v63  }
0x15: {  	_ =	swait.ge [sflag:s7], $0x40  }
0x16: {  	s0 =	rddreg [dreg:$0x4];
	[sflag:s7] =	ssyncset.done $0x0  }
0x17: {  	s11 =	rddreg [dreg:$0x6];
	[sflag:s7] =	ssyncadd.s32 $0xFFFFFFC0  }
0x18: {  	[tilespmem:s11], [sflag:$0x3] =	stream.linear.gather [hbm4b:s0+s2], $0x40, $0x38;
	[tilespmem:$0xC100] =	vst v63  }
0x19: {  	_ =	swait.ge [sflag:s7], $0x40  }
0x1a: {  	[sflag:s7] =	ssyncset.done $0x0  }
0x1b: {  	s0 =	rddreg [dreg:$0x5];
	[sflag:s7] =	ssyncadd.s32 $0xFFFFFFC0  }
0x1c: {  	[tilespmem:s1], [sflag:$0x3] =	stream.linear.gather [hbm4b:s0+s2], $0xC000, $0x38;
	[tilespmem:$0xC100] =	vst v63  }
0x1d: {  	_ =	swait.ge [sflag:s7], $0xC000  }
0x1e: {  	[sflag:s7] =	ssyncset.done $0x0  }
0x1f: {  	[sflag:s7] =	ssyncadd.s32 $0xFFFF4000  }
0x20: {  	v3 =	vld [tilespmem:$0x0];
	_ =	sdelay $0x4  }
0x21: {  	v4 =	vshrl.u32 v3, $0x3  }
0x22: {  	v4 =	vmul.u32 $0x30, v4  }
0x23: {  	v3 =	vand.u32 $0x7, v3  }
0x24: {  	v3 =	vor.u32 v3, v4  }
0x25: {  	v4 =	vperm.xlane v3, v0;
	_ =	sdelay $0x1  }
0x26: {  	v4 =	vadd.s32 v1, v4;
	_ =	sdelay $0x3  }
0x27: {  	v3 =	vperm.xlane v3, v2  }
0x28: {  	[hbm4b:s3+s2] =	stream.indirect_vreg.scatter [tilespmem:s1], [sflag:$0x1], $0x80, v4, vm0, $0xb8;
	[tilespmem:$0xC100] =	vst v63  }
0x29: {  	s10 =	simm.s32 $0x900;
	v3 =	vadd.s32 v1, v3  }
0x2a: {  	[hbm4b:s4+s2] =	stream.indirect_vreg.scatter [tilespmem:s10], [sflag:$0x1], $0x80, v4, vm0, $0xb8;
	[tilespmem:$0xC100] =	vst v63  }
0x2b: {  	s11 =	simm.s32 $0x1100  }
0x2c: {  	[hbm4b:s5+s2] =	stream.indirect_vreg.scatter [tilespmem:s11], [sflag:$0x1], $0x80, v4, vm0, $0xb8;
	[tilespmem:$0xC100] =	vst v63  }
0x2d: {  	_ = 	snop  }
0x2e: {  	[hbm4b:s3+s2] =	stream.indirect_vreg.scatter [tilespmem:s12], [sflag:$0x1], $0x80, v3, vm0, $0xb8;
	[tilespmem:$0xC100] =	vst v63  }
0x2f: {  	_ = 	snop  }
0x30: {  	[hbm4b:s4+s2] =	stream.indirect_vreg.scatter [tilespmem:s13], [sflag:$0x1], $0x80, v3, vm0, $0xb8;
	[tilespmem:$0xC100] =	vst v63  }
0x31: {  	_ = 	snop  }
0x32: {  	[hbm4b:s5+s2] =	stream.indirect_vreg.scatter [tilespmem:s14], [sflag:$0x1], $0x80, v3, vm0, $0xb8;
	[tilespmem:$0xC100] =	vst v63  }
0x33: {  	v3 =	vld [tilespmem:$0x10];
	_ =	sdelay $0x4  }
0x34: {  	v57 =	vshrl.u32 v3, $0x3  }
0x35: {  	v4 =	vmul.u32 $0x30, v57  }
0x36: {  	v3 =	vand.u32 $0x7, v3  }
0x37: {  	v3 =	vor.u32 v3, v4  }
0x38: {  	v4 =	vperm.xlane v3, v0;
	_ =	sdelay $0x1  }
0x39: {  	v4 =	vadd.s32 v1, v4;
	_ =	sdelay $0x3  }
0x3a: {  	v3 =	vperm.xlane v3, v2  }
0x3b: {  	[hbm4b:s3+s2] =	stream.indirect_vreg.scatter [tilespmem:s15], [sflag:$0x1], $0x80, v4, vm0, $0xb8;
	[tilespmem:$0xC100] =	vst v63  }
0x3c: {  	v3 =	vadd.s32 v1, v3  }
0x3d: {  	[hbm4b:s4+s2] =	stream.indirect_vreg.scatter [tilespmem:s16], [sflag:$0x1], $0x80, v4, vm0, $0xb8;
	[tilespmem:$0xC100] =	vst v63  }
0x3e: {  	_ = 	snop  }
0x3f: {  	[hbm4b:s5+s2] =	stream.indirect_vreg.scatter [tilespmem:s17], [sflag:$0x1], $0x80, v4, vm0, $0xb8;
	[tilespmem:$0xC100] =	vst v63  }
0x40: {  	_ = 	snop  }
0x41: {  	[hbm4b:s3+s2] =	stream.indirect_vreg.scatter [tilespmem:s18], [sflag:$0x1], $0x80, v3, vm0, $0xb8;
	[tilespmem:$0xC100] =	vst v63  }
0x42: {  	_ = 	snop  }
0x43: {  	[hbm4b:s4+s2] =	stream.indirect_vreg.scatter [tilespmem:s19], [sflag:$0x1], $0x80, v3, vm0, $0xb8;
	[tilespmem:$0xC100] =	vst v63  }
0x44: {  	_ = 	snop  }
0x45: {  	[hbm4b:s5+s2] =	stream.indirect_vreg.scatter [tilespmem:s20], [sflag:$0x1], $0x80, v3, vm0, $0xb8;
	[tilespmem:$0xC100] =	vst v63  }
0x46: {  	v3 =	vld [tilespmem:$0x20];
	_ =	sdelay $0x4  }
0x47: {  	v58 =	vshrl.u32 v3, $0x3  }
0x48: {  	v4 =	vmul.u32 $0x30, v58  }
0x49: {  	v3 =	vand.u32 $0x7, v3  }
0x4a: {  	v3 =	vor.u32 v3, v4  }
0x4b: {  	v4 =	vperm.xlane v3, v0;
	_ =	sdelay $0x1  }
0x4c: {  	v4 =	vadd.s32 v1, v4;
	_ =	sdelay $0x3  }
0x4d: {  	v3 =	vperm.xlane v3, v2  }
0x4e: {  	[hbm4b:s3+s2] =	stream.indirect_vreg.scatter [tilespmem:s21], [sflag:$0x1], $0x80, v4, vm0, $0xb8;
	[tilespmem:$0xC100] =	vst v63  }
0x4f: {  	v3 =	vadd.s32 v1, v3  }
0x50: {  	[hbm4b:s4+s2] =	stream.indirect_vreg.scatter [tilespmem:s22], [sflag:$0x1], $0x80, v4, vm0, $0xb8;
	[tilespmem:$0xC100] =	vst v63  }
0x51: {  	_ = 	snop  }
0x52: {  	[hbm4b:s5+s2] =	stream.indirect_vreg.scatter [tilespmem:s23], [sflag:$0x1], $0x80, v4, vm0, $0xb8;
	[tilespmem:$0xC100] =	vst v63  }
0x53: {  	_ = 	snop  }
0x54: {  	[hbm4b:s3+s2] =	stream.indirect_vreg.scatter [tilespmem:s24], [sflag:$0x1], $0x80, v3, vm0, $0xb8;
	[tilespmem:$0xC100] =	vst v63  }
0x55: {  	_ = 	snop  }
0x56: {  	[hbm4b:s4+s2] =	stream.indirect_vreg.scatter [tilespmem:s25], [sflag:$0x1], $0x80, v3, vm0, $0xb8;
	[tilespmem:$0xC100] =	vst v63  }
0x57: {  	_ = 	snop  }
0x58: {  	[hbm4b:s5+s2] =	stream.indirect_vreg.scatter [tilespmem:s26], [sflag:$0x1], $0x80, v3, vm0, $0xb8;
	[tilespmem:$0xC100] =	vst v63  }
0x59: {  	v3 =	vld [tilespmem:$0x30];
	_ =	sdelay $0x4  }
0x5a: {  	v59 =	vshrl.u32 v3, $0x3  }
0x5b: {  	v4 =	vmul.u32 $0x30, v59  }
0x5c: {  	v3 =	vand.u32 $0x7, v3  }
0x5d: {  	v3 =	vor.u32 v3, v4  }
0x5e: {  	v4 =	vperm.xlane v3, v0;
	_ =	sdelay $0x1  }
0x5f: {  	v4 =	vadd.s32 v1, v4;
	_ =	sdelay $0x3  }
0x60: {  	v3 =	vperm.xlane v3, v2  }
0x61: {  	[hbm4b:s3+s2] =	stream.indirect_vreg.scatter [tilespmem:s28], [sflag:$0x1], $0x80, v4, vm0, $0xb8;
	[tilespmem:$0xC100] =	vst v63  }
0x62: {  	v3 =	vadd.s32 v1, v3  }
0x63: {  	[hbm4b:s4+s2] =	stream.indirect_vreg.scatter [tilespmem:s29], [sflag:$0x1], $0x80, v4, vm0, $0xb8;
	[tilespmem:$0xC100] =	vst v63  }
0x64: {  	_ = 	snop  }
0x65: {  	[hbm4b:s5+s2] =	stream.indirect_vreg.scatter [tilespmem:s30], [sflag:$0x1], $0x80, v4, vm0, $0xb8;
	[tilespmem:$0xC100] =	vst v63  }
0x66: {  	_ = 	snop  }
0x67: {  	[hbm4b:s3+s2] =	stream.indirect_vreg.scatter [tilespmem:s31], [sflag:$0x1], $0x80, v3, vm0, $0xb8;
	[tilespmem:$0xC100] =	vst v63  }
0x68: {  	s0 =	simm.s32 $0xB100  }
0x69: {  	[hbm4b:s4+s2] =	stream.indirect_vreg.scatter [tilespmem:s0], [sflag:$0x1], $0x80, v3, vm0, $0xb8;
	[tilespmem:$0xC100] =	vst v63  }
0x6a: {  	_ = 	snop  }
0x6b: {  	[hbm4b:s5+s2] =	stream.indirect_vreg.scatter [tilespmem:s8], [sflag:$0x1], $0x80, v3, vm0, $0xb8;
	[tilespmem:$0xC100] =	vst v63  }
0x6c: {  	v3 =	vld [tilespmem:$0x80];
	_ =	sdelay $0x4  }
0x6d: {  	v60 =	vshrl.u32 v3, $0x3  }
0x6e: {  	v4 =	vmul.u32 $0x30, v60  }
0x6f: {  	v3 =	vand.u32 $0x7, v3  }
0x70: {  	v3 =	vor.u32 v3, v4  }
0x71: {  	v4 =	vperm.xlane v3, v0;
	_ =	sdelay $0x1  }
0x72: {  	v4 =	vadd.s32 v1, v4;
	_ =	sdelay $0x3  }
0x73: {  	v3 =	vperm.xlane v3, v2  }
0x74: {  	[hbm4b:s3+s2] =	stream.indirect_vreg.scatter [tilespmem:s1], [sflag:$0x2], $0x80, v4, vm0, $0xb8;
	[tilespmem:$0xC100] =	vst v63  }
0x75: {  	v3 =	vadd.s32 v1, v3  }
0x76: {  	[hbm4b:s4+s2] =	stream.indirect_vreg.scatter [tilespmem:s10], [sflag:$0x2], $0x80, v4, vm0, $0xb8;
	[tilespmem:$0xC100] =	vst v63  }
0x77: {  	_ = 	snop  }
0x78: {  	[hbm4b:s5+s2] =	stream.indirect_vreg.scatter [tilespmem:s11], [sflag:$0x2], $0x80, v4, vm0, $0xb8;
	[tilespmem:$0xC100] =	vst v63  }
0x79: {  	_ = 	snop  }
0x7a: {  	[hbm4b:s3+s2] =	stream.indirect_vreg.scatter [tilespmem:s12], [sflag:$0x2], $0x80, v3, vm0, $0xb8;
	[tilespmem:$0xC100] =	vst v63  }
0x7b: {  	_ = 	snop  }
0x7c: {  	[hbm4b:s4+s2] =	stream.indirect_vreg.scatter [tilespmem:s13], [sflag:$0x2], $0x80, v3, vm0, $0xb8;
	[tilespmem:$0xC100] =	vst v63  }
0x7d: {  	_ = 	snop  }
0x7e: {  	[hbm4b:s5+s2] =	stream.indirect_vreg.scatter [tilespmem:s14], [sflag:$0x2], $0x80, v3, vm0, $0xb8;
	[tilespmem:$0xC100] =	vst v63  }
0x7f: {  	v3 =	vld [tilespmem:$0x90];
	_ =	sdelay $0x4  }
0x80: {  	v61 =	vshrl.u32 v3, $0x3  }
0x81: {  	v4 =	vmul.u32 $0x30, v61  }
0x82: {  	v3 =	vand.u32 $0x7, v3  }
0x83: {  	v3 =	vor.u32 v3, v4  }
0x84: {  	v4 =	vperm.xlane v3, v0;
	_ =	sdelay $0x1  }
0x85: {  	v4 =	vadd.s32 v1, v4;
	_ =	sdelay $0x3  }
0x86: {  	v3 =	vperm.xlane v3, v2  }
0x87: {  	[hbm4b:s3+s2] =	stream.indirect_vreg.scatter [tilespmem:s15], [sflag:$0x2], $0x80, v4, vm0, $0xb8;
	[tilespmem:$0xC100] =	vst v63  }
0x88: {  	v3 =	vadd.s32 v1, v3  }
0x89: {  	[hbm4b:s4+s2] =	stream.indirect_vreg.scatter [tilespmem:s16], [sflag:$0x2], $0x80, v4, vm0, $0xb8;
	[tilespmem:$0xC100] =	vst v63  }
0x8a: {  	_ = 	snop  }
0x8b: {  	[hbm4b:s5+s2] =	stream.indirect_vreg.scatter [tilespmem:s17], [sflag:$0x2], $0x80, v4, vm0, $0xb8;
	[tilespmem:$0xC100] =	vst v63  }
0x8c: {  	_ = 	snop  }
0x8d: {  	[hbm4b:s3+s2] =	stream.indirect_vreg.scatter [tilespmem:s18], [sflag:$0x2], $0x80, v3, vm0, $0xb8;
	[tilespmem:$0xC100] =	vst v63  }
0x8e: {  	_ = 	snop  }
0x8f: {  	[hbm4b:s4+s2] =	stream.indirect_vreg.scatter [tilespmem:s19], [sflag:$0x2], $0x80, v3, vm0, $0xb8;
	[tilespmem:$0xC100] =	vst v63  }
0x90: {  	_ = 	snop  }
0x91: {  	[hbm4b:s5+s2] =	stream.indirect_vreg.scatter [tilespmem:s20], [sflag:$0x2], $0x80, v3, vm0, $0xb8;
	[tilespmem:$0xC100] =	vst v63  }
0x92: {  	v3 =	vld [tilespmem:$0xA0];
	_ =	sdelay $0x4  }
0x93: {  	v62 =	vshrl.u32 v3, $0x3  }
0x94: {  	v4 =	vmul.u32 $0x30, v62  }
0x95: {  	v3 =	vand.u32 $0x7, v3  }
0x96: {  	v3 =	vor.u32 v3, v4  }
0x97: {  	v4 =	vperm.xlane v3, v0;
	_ =	sdelay $0x1  }
0x98: {  	v4 =	vadd.s32 v1, v4;
	_ =	sdelay $0x3  }
0x99: {  	v3 =	vperm.xlane v3, v2  }
0x9a: {  	[hbm4b:s3+s2] =	stream.indirect_vreg.scatter [tilespmem:s21], [sflag:$0x2], $0x80, v4, vm0, $0xb8;
	[tilespmem:$0xC100] =	vst v63  }
0x9b: {  	v3 =	vadd.s32 v1, v3  }
0x9c: {  	[hbm4b:s4+s2] =	stream.indirect_vreg.scatter [tilespmem:s22], [sflag:$0x2], $0x80, v4, vm0, $0xb8;
	[tilespmem:$0xC100] =	vst v63  }
0x9d: {  	_ = 	snop  }
0x9e: {  	[hbm4b:s5+s2] =	stream.indirect_vreg.scatter [tilespmem:s23], [sflag:$0x2], $0x80, v4, vm0, $0xb8;
	[tilespmem:$0xC100] =	vst v63  }
0x9f: {  	_ = 	snop  }
0xa0: {  	[hbm4b:s3+s2] =	stream.indirect_vreg.scatter [tilespmem:s24], [sflag:$0x2], $0x80, v3, vm0, $0xb8;
	[tilespmem:$0xC100] =	vst v63  }
0xa1: {  	_ = 	snop  }
0xa2: {  	[hbm4b:s4+s2] =	stream.indirect_vreg.scatter [tilespmem:s25], [sflag:$0x2], $0x80, v3, vm0, $0xb8;
	[tilespmem:$0xC100] =	vst v63  }
0xa3: {  	_ = 	snop  }
0xa4: {  	[hbm4b:s5+s2] =	stream.indirect_vreg.scatter [tilespmem:s26], [sflag:$0x2], $0x80, v3, vm0, $0xb8;
	[tilespmem:$0xC100] =	vst v63  }
0xa5: {  	v3 =	vld [tilespmem:$0xB0];
	_ =	sdelay $0x4  }
0xa6: {  	v63 =	vshrl.u32 v3, $0x3  }
0xa7: {  	v4 =	vmul.u32 $0x30, v63  }
0xa8: {  	v3 =	vand.u32 $0x7, v3  }
0xa9: {  	v3 =	vor.u32 v3, v4  }
0xaa: {  	v4 =	vperm.xlane v3, v0;
	_ =	sdelay $0x1  }
0xab: {  	v4 =	vadd.s32 v1, v4;
	_ =	sdelay $0x3  }
0xac: {  	v3 =	vperm.xlane v3, v2  }
0xad: {  	[hbm4b:s3+s2] =	stream.indirect_vreg.scatter [tilespmem:s28], [sflag:$0x2], $0x80, v4, vm0, $0xb8;
	[tilespmem:$0xC100] =	vst v63  }
0xae: {  	v3 =	vadd.s32 v1, v3  }
0xaf: {  	[hbm4b:s4+s2] =	stream.indirect_vreg.scatter [tilespmem:s29], [sflag:$0x2], $0x80, v4, vm0, $0xb8;
	[tilespmem:$0xC100] =	vst v63  }
0xb0: {  	_ = 	snop  }
0xb1: {  	[hbm4b:s5+s2] =	stream.indirect_vreg.scatter [tilespmem:s30], [sflag:$0x2], $0x80, v4, vm0, $0xb8;
	[tilespmem:$0xC100] =	vst v63  }
0xb2: {  	_ = 	snop  }
0xb3: {  	[hbm4b:s3+s2] =	stream.indirect_vreg.scatter [tilespmem:s31], [sflag:$0x2], $0x80, v3, vm0, $0xb8;
	[tilespmem:$0xC100] =	vst v63  }
0xb4: {  	_ = 	snop  }
0xb5: {  	[hbm4b:s4+s2] =	stream.indirect_vreg.scatter [tilespmem:s0], [sflag:$0x2], $0x80, v3, vm0, $0xb8;
	[tilespmem:$0xC100] =	vst v63  }
0xb6: {  	s11 =	simm.s32 $0x1  }
0xb7: {  	[hbm4b:s5+s2] =	stream.indirect_vreg.scatter [tilespmem:s8], [sflag:$0x2], $0x80, v3, vm0, $0xb8;
	[tilespmem:$0xC100] =	vst v63  }
0xb8: {  	p0 =	sne.s32 s6, $0x1;
	_ =	swait.ge [sflag:s11], $0xC000  }
.Ltmp0:
0xb9: {  	[sflag:s11] =	ssyncset.done $0x0;
	(pc) =	sbr.rel @p0 .LBB2_1-.Ltmp0, $4  }
0xba: {  	[sflag:s11] =	ssyncadd.s32 $0xFFFF4000  }
0xbb: {  	_ =	swait.ge [sflag:s9], $0xC000  }
0xbc: {  	[sflag:s9] =	ssyncset.done $0x0  }
0xbd: {  	s6 =	sadd.s32 $0xFFFFFFFF, s6;
	[sflag:s9] =	ssyncadd.s32 $0xFFFF4000  }
0xbe: {  	_ =	sfence.sel $0x180000  }
0xbf: {  	[bflag:$0x0] =	sbarrier.arrive $0xFFFF  }
0xc0: {  	_ =	strace $0x90000047  }
0xc1: {  	s0 =	stileid.u32;
	[bflag:$0x2] =	sbarrier.arrive $0xFFFF  }
0xc2: {  	p0 =	sne.s32 s0, $0x0;
	s0 =	rddreg [dreg:$0x2]  }
0xc3: {  	s0 =	sadd.s32 @!p0 $0x100000, s0  }
0xc4: {  	[sflag:s0] =	ssyncadd.tile.s32 @!p0 $0x1;
	_ =	shalt  }
.Lfunc_end2:
_tile_overlayer_lowered:
.L_overlay_start_2:
0xc5: {  	(tag) =	ssettag $0x2  }
0xc6: {  	s0 =	rddreg [dreg:$0x0];
	s2 =	stileid.u32  }
0xc7: {  	s1 =	rddreg [dreg:$0x1];
	p0 =	sne.s32 s2, $0x0  }
0xc8: {  	s3 =	rddreg [dreg:$0x2];
	[bflag:$0x3] =	sbarrier.arrive $0xFFFF;
	s2 =	simm.s32 @!p0 $0x1C03  }
0xc9: {  	[timem:s3], [sflag:s2] =	dma.local @!p0 [hbm:s0], s1  }
0xca: {  	s0 =	simm.s32 @!p0 $0x3  }
0xcb: {  	_ =	swait.ge @!p0 [sflag:s0], s1  }
0xcc: {  	s1 =	ssub.s32 @!p0 $0x0, s1;
	[sflag:s0] =	ssyncset.done @!p0 $0x0  }
0xcd: {  	[sflag:s0] =	ssyncadd.s32 @!p0 s1  }
0xce: {  	[bflag:$0x3] =	sbarrier.arrive $0xFFFF  }
0xcf: {  	_ =	shalt  }

// kernel: _moe.9.cloned.1.call-start
scs
__scs_entry_jumppad:
0x0: {  	(pc) =	sbr.rel $0x88, $3  }
0x1: {  	(tag) =	ssettag $0x0;
	lr =	simm.s32 $0x1  }
0x2: {  	[smem:$0x3F9D] =	sst lr;
	_ =	strace $0xD0000000  }
0x3: {  	_ = 	snop  }
0x4: {  	_ = 	snop  }
0x5: {  	_ = 	snop  }
0x6: {  	_ = 	snop  }
0x7: {  	_ = 	snop  }
__scs_overlays_trampoline_lowered:
0x8: {  	[smem:$0x3FAC] =	sst s0  }
0x9: {  	[smem:$0x3FAD] =	sst s1  }
0xa: {  	[smem:$0x3FAE] =	sst s2  }
0xb: {  	[smem:$0x3FAF] =	sst s3  }
0xc: {  	[smem:$0x3FB0] =	sst s4  }
0xd: {  	[smem:$0x3FB1] =	sst s5  }
0xe: {  	[smem:$0x3FB2] =	sst s6  }
0xf: {  	[smem:$0x3FB3] =	sst s7  }
0x10: {  	[smem:$0x3FB4] =	sst s8  }
0x11: {  	[smem:$0x3FB5] =	sst s9;
	s0 =	simm.s32 @!p0 $0x0  }
0x12: {  	s1 =	sld [smem:$0x3F9B];
	s0 =	simm.s32 @p0 $0x1  }
0x13: {  	[smem:$0x3FB6] =	sst s0;
	s0 =	simm.s32 @!p1 $0x0  }
0x14: {  	s2 =	sld [smem:$0x3F9A];
	s0 =	simm.s32 @p1 $0x1  }
0x15: {  	[smem:$0x3FB7] =	sst s0;
	s0 =	simm.s32 @!p2 $0x0  }
0x16: {  	s3 =	sld [smem:$0x3FDB];
	s0 =	simm.s32 @p2 $0x1  }
0x17: {  	s4 =	simm.s32 $0x1BF5;
	[smem:$0x3FB9] =	sst s0  }
0x18: {  	s0 =	sld [smem:$0x3F9C];
	_ =	swait.ge [sflag:s4], $0x0  }
0x19: {  	s7 =	sld [smem:$0x3F9D]  }
0x1a: {  	s8 =	sadd.s32 $0xFFFFE003, lr  }
0x1b: {  	s9 =	sadd.s32 $0xFFFFFEF7, lr;
	s5 =	simm.s32 $0xFFFFFFFF;
	p2 =	slt.u32 s8, $0xFFFFF086  }
0x1c: {  	p1 =	slt.u32 s9, $0xF7A;
	s5 =	simm.s32 @!p2 $0x0  }
0x1d: {  	s5 =	simm.s32 @p1 $0x1;
	p0 =	seq.s32 s7, s2  }
0x1e: {  	s7 =	smul.u32 @!p0 $0xF7A, s2;
	p2 =	seq.s32 @!p0 s5, $0x0  }
0x1f: {  	s9 =	smul.u32 $0xF7A, s1;
	s8 =	simm.s32 @!p0 $0x1BF5;
	p2 =	por !p2, p0  }
0x20: {  	[sflag:s8] =	ssyncset.s32 @!p0 $0xFFFFF086;
	s6 =	sadd.s32 @!p0 s3, s7;
	s7 =	simm.s32 @!p0 $0x108  }
0x21: {  	s3 =	sadd.s32 s3, s9;
	s6 =	sadd.s32 @!p0 $0x88, s6;
	s7 =	simm.s32 @p2 $0x1082  }
0x22: {  	[simem:s7], [sflag:s8] =	dma.local @!p0 [hbm:s6], $0xF7A  }
0x23: {  	s9 =	sor.u32 $0xD0000000, s2;
	s6 =	simm.s32 $0x108;
	_ =	swait.ge @!p0 [sflag:s8], $0x0  }
0x24: {  	s3 =	sadd.s32 $0x88, s3;
	s6 =	simm.s32 @!p1 $0x1082;
	[sflag:s4] =	ssyncset.s32 $0xFFFFF086  }
0x25: {  	[simem:s6], [sflag:s4] =	dma.local [hbm:s3], $0xF7A  }
0x26: {  	[smem:$0x3F9D] =	sst s1;
	(tag) =	ssettag s2;
	_ =	strace s9  }
0x27: {  	s1 =	sld [smem:$0x3FAD]  }
0x28: {  	s2 =	sld [smem:$0x3FAE]  }
0x29: {  	s4 =	sld [smem:$0x3FB0]  }
0x2a: {  	p0 =	seq.s32 s5, $0x0;
	s5 =	sld [smem:$0x3FB1]  }
0x2b: {  	s6 =	sld [smem:$0x3FB2]  }
0x2c: {  	s7 =	sld [smem:$0x3FB3]  }
0x2d: {  	s3 =	simm.s32 $0x108;
	s8 =	sld [smem:$0x3FB4]  }
0x2e: {  	s3 =	simm.s32 @!p0 $0x1082;
	s9 =	sld [smem:$0x3FB5]  }
0x2f: {  	lr =	sadd.s32 s0, s3;
	s0 =	sld [smem:$0x3FAC]  }
0x30: {  	s3 =	sld [smem:$0x3FAF]  }
0x31: {  	[smem:$0x3FB8] =	sst s10  }
0x32: {  	s10 =	sld [smem:$0x3FB6];
	_ =	sdelay $0x3  }
0x33: {  	p0 =	seq.s32 s10, $0x1;
	s10 =	sld [smem:$0x3FB8];
	_ =	sdelay $0x3  }
0x34: {  	[smem:$0x3FB8] =	sst s10  }
0x35: {  	s10 =	sld [smem:$0x3FB7];
	_ =	sdelay $0x3  }
0x36: {  	p1 =	seq.s32 s10, $0x1;
	s10 =	sld [smem:$0x3FB8];
	_ =	sdelay $0x3  }
0x37: {  	[smem:$0x3FB8] =	sst s10  }
0x38: {  	s10 =	sld [smem:$0x3FB9]  }
0x39: {  	_ = 	snop;
	(pc) =	sbr.ind lr, $3  }
0x3a: {  	_ = 	snop  }
0x3b: {  	_ = 	snop  }
0x3c: {  	p2 =	seq.s32 s10, $0x1;
	s10 =	sld [smem:$0x3FB8]  }
0x3d: {  	_ =	shalt  }
0x3e: {  	_ =	shalt  }
0x3f: {  	_ =	shalt  }
0x40: {  	_ =	shalt  }
0x41: {  	_ =	shalt  }
0x42: {  	_ =	shalt  }
0x43: {  	_ =	shalt  }
0x44: {  	_ =	shalt  }
0x45: {  	_ =	shalt  }
0x46: {  	_ =	shalt  }
0x47: {  	_ =	shalt  }
0x48: {  	_ =	shalt  }
0x49: {  	_ =	shalt  }
0x4a: {  	_ =	shalt  }
0x4b: {  	_ =	shalt  }
0x4c: {  	_ =	shalt  }
0x4d: {  	_ =	shalt  }
0x4e: {  	_ =	shalt  }
0x4f: {  	_ =	shalt  }
0x50: {  	_ =	shalt  }
0x51: {  	_ =	shalt  }
0x52: {  	_ =	shalt  }
0x53: {  	_ =	shalt  }
0x54: {  	_ =	shalt  }
0x55: {  	_ =	shalt  }
0x56: {  	_ =	shalt  }
0x57: {  	_ =	shalt  }
0x58: {  	_ =	shalt  }
0x59: {  	_ =	shalt  }
0x5a: {  	_ =	shalt  }
0x5b: {  	_ =	shalt  }
0x5c: {  	_ =	shalt  }
0x5d: {  	_ =	shalt  }
0x5e: {  	_ =	shalt  }
0x5f: {  	_ =	shalt  }
0x60: {  	_ =	shalt  }
0x61: {  	_ =	shalt  }
0x62: {  	_ =	shalt  }
0x63: {  	_ =	shalt  }
0x64: {  	_ =	shalt  }
0x65: {  	_ =	shalt  }
0x66: {  	_ =	shalt  }
0x67: {  	_ =	shalt  }
0x68: {  	_ =	shalt  }
0x69: {  	_ =	shalt  }
0x6a: {  	_ =	shalt  }
0x6b: {  	_ =	shalt  }
0x6c: {  	_ =	shalt  }
0x6d: {  	_ =	shalt  }
0x6e: {  	_ =	shalt  }
0x6f: {  	_ =	shalt  }
0x70: {  	_ =	shalt  }
0x71: {  	_ =	shalt  }
0x72: {  	_ =	shalt  }
0x73: {  	_ =	shalt  }
0x74: {  	_ =	shalt  }
0x75: {  	_ =	shalt  }
0x76: {  	_ =	shalt  }
0x77: {  	_ =	shalt  }
0x78: {  	_ =	shalt  }
0x79: {  	_ =	shalt  }
0x7a: {  	_ =	shalt  }
0x7b: {  	_ =	shalt  }
0x7c: {  	_ =	shalt  }
0x7d: {  	_ =	shalt  }
0x7e: {  	_ =	shalt  }
0x7f: {  	_ =	shalt  }
0x80: {  	_ =	shalt  }
0x81: {  	_ =	shalt  }
0x82: {  	_ =	shalt  }
0x83: {  	_ =	shalt  }
0x84: {  	_ =	shalt  }
0x85: {  	_ =	shalt  }
0x86: {  	_ =	shalt  }
0x87: {  	_ =	shalt  }
.Lfunc_end0:
.L_simem_size_0:
called_computation.1_lowered:
.L_overlay_start_0:
0x88: {  	s2 =	sld [smem:$0x3FD9]  }
0x89: {  	s3 =	sld [smem:$0x3FFE];
	_ =	sdelay $0x1  }
0x8a: {  	s1 =	srdreg.scid  }
0x8b: {  	s0 =	sand.u32 $0x1, s1  }
0x8c: {  	s17 =	sshll.u32 s0, $0xA;
	s2 =	sadd.s32 s3, s2  }
0x8d: {  	s2 =	sadd.s32 s2, s17  }
0x8e: {  	[smem:$0x3FC4] =	sst s2  }
0x8f: {  	_ = 	snop  }
0x90: {  	s2 =	sld [smem:$0x3FD0];
	(tm) =	ssettm $0x1  }
0x91: {  	s18 =	sld [smem:$0x3FFB];
	_ =	sdelay $0x3  }
0x92: {  	_ =	strace s18  }
0x93: {  	s3 =	sld [smem:$0x3FFC];
	_ =	sdelay $0x3  }
0x94: {  	_ =	strace s3  }
0x95: {  	s3 =	sld [smem:$0x3FFD];
	_ =	sdelay $0x3  }
0x96: {  	_ =	strace s3  }
0x97: {  	_ =	strace $0x8FFFFFFF  }
0x98: {  	s19 =	sld [smem:$0x3FDB];
	_ =	sdelay $0x1  }
0x99: {  	s4 =	simm.s32 $_scs_section_size  }
0x9a: {  	s5 =	simm.s32 $_size__tile_overlayer_lowered;
	s6 =	simm.s32 $_tile_overlayer_lowered  }
0x9b: {  	s22 =	simm.s32 $0x1BFF;
	s21 =	sshll.u32 s6, $0x1;
	s3 =	sadd.s32 s4, s19  }
0x9c: {  	s7 =	simm.s32 $0x0;
	s20 =	sshll.u32 s5, $0x1;
	s5 =	sadd.s32 s21, s3  }
0x9d: {  	[timem:s7], [sflag:s22] =	dma.local [hbm:s5], s20  }
0x9e: {  	_ =	swait.ge [sflag:s22], s20  }
0x9f: {  	s4 =	ssub.s32 $0x0, s20;
	[sflag:s22] =	ssyncset.done $0x0  }
0xa0: {  	[sflag:s22] =	ssyncadd.s32 s4;
	_ =	sdelay $0x1  }
0xa1: {  	s23 =	simm.s32 $0x1B8B  }
0xa2: {  	_ =	swait.ge [sflag:s23], $0x1  }
0xa3: {  	[sflag:s23] =	ssyncset.done $0x0  }
0xa4: {  	s25 =	simm.s32 $0x1B8E;
	s24 =	sld [smem:$0x3FFE];
	[sflag:s23] =	ssyncadd.s32 $0xFFFFFFFF  }
0xa5: {  	s26 =	simm.s32 $execute0_lowered;
	[smem:$0x3FD2] =	sst s25  }
0xa6: {  	s5 =	sshll.u32 s26, $0x1;
	_ =	strace $0x80000049;
	[dreg:$0x1] =	wrdreg $0xFFFFFFFF  }
0xa7: {  	s28 =	simm.s32 $_size_execute0_lowered;
	s3 =	sadd.s32 s3, s5;
	[dreg:$0x0] =	wrdreg $0x0  }
0xa8: {  	s5 =	sshll.u32 s28, $0x1;
	[dreg:$0x2] =	wrdreg s3  }
0xa9: {  	[dreg:$0x3] =	wrdreg s5  }
0xaa: {  	[dreg:$0x4] =	wrdreg $0xC0  }
0xab: {  	_ =	task [dreg:s7], $0x5FFFF  }
0xac: {  	[dreg:$0x1] =	wrdreg $0xFFFFFFFF  }
0xad: {  	[dreg:$0x0] =	wrdreg $0x60  }
0xae: {  	[dreg:$0x2] =	wrdreg s24  }
0xaf: {  	[dreg:$0x3] =	wrdreg s2  }
0xb0: {  	[dreg:$0x4] =	wrdreg $0x9  }
0xb1: {  	_ =	task.clear_ibuf [dreg:s7], $0x5FFFF;
	_ =	strace $0x90000049  }
0xb2: {  	s29 =	simm.s32 $0x9;
	_ =	strace $0x8000004B  }
0xb3: {  	_ =	swait.ge [sflag:s29], $0x1  }
0xb4: {  	[sflag:s29] =	ssyncadd.s32 $0xFFFFFFFF  }
0xb5: {  	_ =	strace $0x9000004B  }
0xb6: {  	_ =	sfence  }
0xb7: {  	s30 =	sld [smem:$0x0];
	_ =	sdelay $0x2  }
0xb8: {  	s31 =	sshll.u32 s1, $0xD;
	s1 =	sshrl.u32 s1, $0x2  }
0xb9: {  	s3 =	sand.u32 $0x4000, s31;
	s1 =	sadd.s32 s1, s30  }
0xba: {  	s0 =	sor.u32 s3, s0;
	s1 =	sshll.u32 s1, $0x11  }
0xbb: {  	s0 =	sor.u32 s1, s0  }
0xbc: {  	s0 =	sadd.s32 $0x8F2B, s0  }
0xbd: {  	[sflag:s0] =	ssyncadd.remote.s32 $0x1  }
0xbe: {  	_ =	sfence.sel $0xFFFF  }
0xbf: {  	[dreg:$0x0] =	wrdreg $0xFFFFFFFF;
	(pc) =	sbr.abs _section_cstart, $3  }
0xc0: {  	[dreg:$0x1] =	wrdreg $0xFFFFFFFF  }
0xc1: {  	_ =	task.clear_ibuf [dreg:s7], $0x2FFFF;
	_ =	strace $0x9FFFFFFF  }
0xc2: {  	(tm) =	ssettm $0x7FFFFFFF  }
0xc3: {  	_ =	shalt  }
tec
execute0_lowered:
.L_overlay_start_1:
0x0: {  	(tag) =	ssettag $0x1  }
0x1: {  	s0 =	rddreg [dreg:$0x0]  }
0x2: {  	s1 =	rddreg [dreg:$0x1];
	s3 =	srdreg.scid  }
0x3: {  	s2 =	simm.s32 $0x0;
	s5 =	stileid.u32;
	s12 =	simm.s32 $0x3  }
0x4: {  	s16 =	simm.s32 $0x100;
	s17 =	simm.s32 $0x13900;
	s18 =	simm.s32 $0x14100  }
0x5: {  	s19 =	simm.s32 $0x14900;
	s20 =	simm.s32 $0x15100;
	s21 =	simm.s32 $0x15900  }
0x6: {  	s22 =	simm.s32 $0x16100;
	s23 =	simm.s32 $0x16900;
	s24 =	simm.s32 $0x17100  }
0x7: {  	s25 =	simm.s32 $0x17900;
	s26 =	simm.s32 $0x1;
	s28 =	simm.s32 $0x2  }
0x8: {  	s29 =	simm.s32 $0x0;
	s4 =	sand.u32 $0x1, s3;
	[smem:$0x7FF] =	sst s2  }
0x9: {  	s30 =	sshll.u32 s5, $0x7;
	s3 =	sadd.s32 $0x11000, s0;
	s31 =	sshll.u32 s4, $0x6  }
0xa: {  	_ =	strace $0x8000004A;
	s4 =	ssub.s32 $0x2, s4;
	s5 =	sor.u32 s31, s30  }
0xb: {  	s8 =	sshrl.u32 s4, $0x1;
	s7 =	sshrl.u32 s5, $0x3;
	s5 =	sshll.u32 s5, $0x4  }
0xc: {  	s11 =	ssub.s32 s4, s8;
	s8 =	sadd.s32 $0x11100, s0;
	s6 =	sadd.s32 s7, s0  }
0xd: {  	v2 =	vlaneseq.u32;
	s9 =	sadd.s32 s5, s0;
	s10 =	smul.u32 $0x300, s7;
	s11 =	smax.u32 s11, $0x1  }
0xe: {  	vm0 =	vmmov $0xffff;
	v1 =	vshrl.u32 v2, $0x3;
	s4 =	sadd.s32 $0x10C00, s6;
	s5 =	sadd.s32 $0x10E00, s6;
	s6 =	sadd.s32 $0xC00, s9  }
0xf: {  	v0 =	vand.u32 $0x7, v2;
	v2 =	vor.u32 $0x8, v2;
	v1 =	vmul.u32 $0x8, v1;
	s7 =	sadd.s32 $0x8C00, s9;
	s9 =	sadd.s32 $0x11200, s0;
	s10 =	sadd.s32 s1, s10  }
.LBB2_1:
0x10: {  	[tilespmem:s2], [sflag:$0x3] =	stream.linear.gather [hbm4b:s4+s2], $0x40, $0x38;
	[tilespmem:$0x1C100] =	vst v63  }
0x11: {  	_ =	swait.ge [sflag:s12], $0x40  }
0x12: {  	[sflag:s12] =	ssyncset.done $0x0  }
0x13: {  	s0 =	simm.s32 $0x80;
	[sflag:s12] =	ssyncadd.s32 $0xFFFFFFC0  }
0x14: {  	[tilespmem:s0], [sflag:$0x3] =	stream.linear.gather [hbm4b:s5+s2], $0x40, $0x38;
	[tilespmem:$0x1C100] =	vst v63  }
0x15: {  	_ =	swait.ge [sflag:s12], $0x40  }
0x16: {  	[sflag:s12] =	ssyncset.done $0x0  }
0x17: {  	s1 =	simm.s32 $0x18100;
	[sflag:s12] =	ssyncadd.s32 $0xFFFFFFC0  }
0x18: {  	[tilespmem:s1], [sflag:$0x3] =	stream.linear.gather [hbm4b:s6+s2], $0x2000, $0x38;
	[tilespmem:$0x1C100] =	vst v63  }
0x19: {  	_ =	swait.ge [sflag:s12], $0x2000  }
0x1a: {  	[sflag:s12] =	ssyncset.done $0x0  }
0x1b: {  	s13 =	simm.s32 $0x1A100;
	[sflag:s12] =	ssyncadd.s32 $0xFFFFE000  }
0x1c: {  	[tilespmem:s13], [sflag:$0x3] =	stream.linear.gather [hbm4b:s7+s2], $0x2000, $0x38;
	[tilespmem:$0x1C100] =	vst v63  }
0x1d: {  	_ =	swait.ge [sflag:s12], $0x2000  }
0x1e: {  	[sflag:s12] =	ssyncset.done $0x0  }
0x1f: {  	[sflag:s12] =	ssyncadd.s32 $0xFFFFE000  }
0x20: {  	v3 =	vld [tilespmem:$0x0];
	_ =	sdelay $0x4  }
0x21: {  	v4 =	vshrl.u32 v3, $0x3  }
0x22: {  	v4 =	vmul.u32 $0x30, v4  }
0x23: {  	v3 =	vand.u32 $0x7, v3  }
0x24: {  	v3 =	vor.u32 v3, v4  }
0x25: {  	v4 =	vperm.xlane v3, v0;
	_ =	sdelay $0x1  }
0x26: {  	v4 =	vadd.s32 v1, v4;
	_ =	sdelay $0x3  }
0x27: {  	v3 =	vperm.xlane v3, v2  }
0x28: {  	[tilespmem:s16], [sflag:$0x1] =	stream.indirect_vreg.gather [hbm4b:s3+s2], $0x80, v4, vm0, $0xb8;
	[tilespmem:$0x1C100] =	vst v63  }
0x29: {  	s14 =	simm.s32 $0x900;
	v3 =	vadd.s32 v1, v3  }
0x2a: {  	[tilespmem:s14], [sflag:$0x1] =	stream.indirect_vreg.gather [hbm4b:s8+s2], $0x80, v4, vm0, $0xb8;
	[tilespmem:$0x1C100] =	vst v63  }
0x2b: {  	s15 =	simm.s32 $0x1100  }
0x2c: {  	[tilespmem:s15], [sflag:$0x1] =	stream.indirect_vreg.gather [hbm4b:s9+s2], $0x80, v4, vm0, $0xb8;
	[tilespmem:$0x1C100] =	vst v63  }
0x2d: {  	s31 =	simm.s32 $0x1900  }
0x2e: {  	[tilespmem:s31], [sflag:$0x1] =	stream.indirect_vreg.gather [hbm4b:s3+s2], $0x80, v3, vm0, $0xb8;
	[tilespmem:$0x1C100] =	vst v63  }
0x2f: {  	s1 =	simm.s32 $0x2100  }
0x30: {  	[tilespmem:s1], [sflag:$0x1] =	stream.indirect_vreg.gather [hbm4b:s8+s2], $0x80, v3, vm0, $0xb8;
	[tilespmem:$0x1C100] =	vst v63  }
0x31: {  	s13 =	simm.s32 $0x2900  }
0x32: {  	[tilespmem:s13], [sflag:$0x1] =	stream.indirect_vreg.gather [hbm4b:s9+s2], $0x80, v3, vm0, $0xb8;
	[tilespmem:$0x1C100] =	vst v63  }
0x33: {  	v3 =	vld [tilespmem:$0x10];
	_ =	sdelay $0x4  }
0x34: {  	v57 =	vshrl.u32 v3, $0x3  }
0x35: {  	v4 =	vmul.u32 $0x30, v57  }
0x36: {  	v3 =	vand.u32 $0x7, v3  }
0x37: {  	v3 =	vor.u32 v3, v4  }
0x38: {  	v4 =	vperm.xlane v3, v0;
	_ =	sdelay $0x1  }
0x39: {  	v4 =	vadd.s32 v1, v4;
	_ =	sdelay $0x3  }
0x3a: {  	s14 =	simm.s32 $0x3100;
	v3 =	vperm.xlane v3, v2  }
0x3b: {  	[tilespmem:s14], [sflag:$0x1] =	stream.indirect_vreg.gather [hbm4b:s3+s2], $0x80, v4, vm0, $0xb8;
	[tilespmem:$0x1C100] =	vst v63  }
0x3c: {  	s15 =	simm.s32 $0x3900;
	v3 =	vadd.s32 v1, v3  }
0x3d: {  	[tilespmem:s15], [sflag:$0x1] =	stream.indirect_vreg.gather [hbm4b:s8+s2], $0x80, v4, vm0, $0xb8;
	[tilespmem:$0x1C100] =	vst v63  }
0x3e: {  	s31 =	simm.s32 $0x4100  }
0x3f: {  	[tilespmem:s31], [sflag:$0x1] =	stream.indirect_vreg.gather [hbm4b:s9+s2], $0x80, v4, vm0, $0xb8;
	[tilespmem:$0x1C100] =	vst v63  }
0x40: {  	s1 =	simm.s32 $0x4900  }
0x41: {  	[tilespmem:s1], [sflag:$0x1] =	stream.indirect_vreg.gather [hbm4b:s3+s2], $0x80, v3, vm0, $0xb8;
	[tilespmem:$0x1C100] =	vst v63  }
0x42: {  	s13 =	simm.s32 $0x5100  }
0x43: {  	[tilespmem:s13], [sflag:$0x1] =	stream.indirect_vreg.gather [hbm4b:s8+s2], $0x80, v3, vm0, $0xb8;
	[tilespmem:$0x1C100] =	vst v63  }
0x44: {  	s14 =	simm.s32 $0x5900  }
0x45: {  	[tilespmem:s14], [sflag:$0x1] =	stream.indirect_vreg.gather [hbm4b:s9+s2], $0x80, v3, vm0, $0xb8;
	[tilespmem:$0x1C100] =	vst v63  }
0x46: {  	v3 =	vld [tilespmem:$0x20];
	_ =	sdelay $0x4  }
0x47: {  	v58 =	vshrl.u32 v3, $0x3  }
0x48: {  	v4 =	vmul.u32 $0x30, v58  }
0x49: {  	v3 =	vand.u32 $0x7, v3  }
0x4a: {  	v3 =	vor.u32 v3, v4  }
0x4b: {  	v4 =	vperm.xlane v3, v0;
	_ =	sdelay $0x1  }
0x4c: {  	v4 =	vadd.s32 v1, v4;
	_ =	sdelay $0x3  }
0x4d: {  	s15 =	simm.s32 $0x6100;
	v3 =	vperm.xlane v3, v2  }
0x4e: {  	[tilespmem:s15], [sflag:$0x1] =	stream.indirect_vreg.gather [hbm4b:s3+s2], $0x80, v4, vm0, $0xb8;
	[tilespmem:$0x1C100] =	vst v63  }
0x4f: {  	s31 =	simm.s32 $0x6900;
	v3 =	vadd.s32 v1, v3  }
0x50: {  	[tilespmem:s31], [sflag:$0x1] =	stream.indirect_vreg.gather [hbm4b:s8+s2], $0x80, v4, vm0, $0xb8;
	[tilespmem:$0x1C100] =	vst v63  }
0x51: {  	s1 =	simm.s32 $0x7100  }
0x52: {  	[tilespmem:s1], [sflag:$0x1] =	stream.indirect_vreg.gather [hbm4b:s9+s2], $0x80, v4, vm0, $0xb8;
	[tilespmem:$0x1C100] =	vst v63  }
0x53: {  	s13 =	simm.s32 $0x7900  }
0x54: {  	[tilespmem:s13], [sflag:$0x1] =	stream.indirect_vreg.gather [hbm4b:s3+s2], $0x80, v3, vm0, $0xb8;
	[tilespmem:$0x1C100] =	vst v63  }
0x55: {  	s14 =	simm.s32 $0x8100  }
0x56: {  	[tilespmem:s14], [sflag:$0x1] =	stream.indirect_vreg.gather [hbm4b:s8+s2], $0x80, v3, vm0, $0xb8;
	[tilespmem:$0x1C100] =	vst v63  }
0x57: {  	s15 =	simm.s32 $0x8900  }
0x58: {  	[tilespmem:s15], [sflag:$0x1] =	stream.indirect_vreg.gather [hbm4b:s9+s2], $0x80, v3, vm0, $0xb8;
	[tilespmem:$0x1C100] =	vst v63  }
0x59: {  	v3 =	vld [tilespmem:$0x30];
	_ =	sdelay $0x4  }
0x5a: {  	v59 =	vshrl.u32 v3, $0x3  }
0x5b: {  	v4 =	vmul.u32 $0x30, v59  }
0x5c: {  	v3 =	vand.u32 $0x7, v3  }
0x5d: {  	v3 =	vor.u32 v3, v4  }
0x5e: {  	v4 =	vperm.xlane v3, v0;
	_ =	sdelay $0x1  }
0x5f: {  	v4 =	vadd.s32 v1, v4;
	_ =	sdelay $0x3  }
0x60: {  	s31 =	simm.s32 $0x9100;
	v3 =	vperm.xlane v3, v2  }
0x61: {  	[tilespmem:s31], [sflag:$0x1] =	stream.indirect_vreg.gather [hbm4b:s3+s2], $0x80, v4, vm0, $0xb8;
	[tilespmem:$0x1C100] =	vst v63  }
0x62: {  	s1 =	simm.s32 $0x9900;
	v3 =	vadd.s32 v1, v3  }
0x63: {  	[tilespmem:s1], [sflag:$0x1] =	stream.indirect_vreg.gather [hbm4b:s8+s2], $0x80, v4, vm0, $0xb8;
	[tilespmem:$0x1C100] =	vst v63  }
0x64: {  	s13 =	simm.s32 $0xA100  }
0x65: {  	[tilespmem:s13], [sflag:$0x1] =	stream.indirect_vreg.gather [hbm4b:s9+s2], $0x80, v4, vm0, $0xb8;
	[tilespmem:$0x1C100] =	vst v63  }
0x66: {  	s14 =	simm.s32 $0xA900  }
0x67: {  	[tilespmem:s14], [sflag:$0x1] =	stream.indirect_vreg.gather [hbm4b:s3+s2], $0x80, v3, vm0, $0xb8;
	[tilespmem:$0x1C100] =	vst v63  }
0x68: {  	s15 =	simm.s32 $0xB100  }
0x69: {  	[tilespmem:s15], [sflag:$0x1] =	stream.indirect_vreg.gather [hbm4b:s8+s2], $0x80, v3, vm0, $0xb8;
	[tilespmem:$0x1C100] =	vst v63  }
0x6a: {  	s31 =	simm.s32 $0xB900  }
0x6b: {  	[tilespmem:s31], [sflag:$0x1] =	stream.indirect_vreg.gather [hbm4b:s9+s2], $0x80, v3, vm0, $0xb8;
	[tilespmem:$0x1C100] =	vst v63  }
0x6c: {  	v3 =	vld [tilespmem:$0x80];
	_ =	sdelay $0x4  }
0x6d: {  	v60 =	vshrl.u32 v3, $0x3  }
0x6e: {  	v4 =	vmul.u32 $0x30, v60  }
0x6f: {  	v3 =	vand.u32 $0x7, v3  }
0x70: {  	v3 =	vor.u32 v3, v4  }
0x71: {  	v4 =	vperm.xlane v3, v0;
	_ =	sdelay $0x1  }
0x72: {  	v4 =	vadd.s32 v1, v4;
	_ =	sdelay $0x3  }
0x73: {  	s1 =	simm.s32 $0xC100;
	v3 =	vperm.xlane v3, v2  }
0x74: {  	[tilespmem:s1], [sflag:$0x2] =	stream.indirect_vreg.gather [hbm4b:s3+s2], $0x80, v4, vm0, $0xb8;
	[tilespmem:$0x1C100] =	vst v63  }
0x75: {  	s13 =	simm.s32 $0xC900;
	v3 =	vadd.s32 v1, v3  }
0x76: {  	[tilespmem:s13], [sflag:$0x2] =	stream.indirect_vreg.gather [hbm4b:s8+s2], $0x80, v4, vm0, $0xb8;
	[tilespmem:$0x1C100] =	vst v63  }
0x77: {  	s14 =	simm.s32 $0xD100  }
0x78: {  	[tilespmem:s14], [sflag:$0x2] =	stream.indirect_vreg.gather [hbm4b:s9+s2], $0x80, v4, vm0, $0xb8;
	[tilespmem:$0x1C100] =	vst v63  }
0x79: {  	s15 =	simm.s32 $0xD900  }
0x7a: {  	[tilespmem:s15], [sflag:$0x2] =	stream.indirect_vreg.gather [hbm4b:s3+s2], $0x80, v3, vm0, $0xb8;
	[tilespmem:$0x1C100] =	vst v63  }
0x7b: {  	s31 =	simm.s32 $0xE100  }
0x7c: {  	[tilespmem:s31], [sflag:$0x2] =	stream.indirect_vreg.gather [hbm4b:s8+s2], $0x80, v3, vm0, $0xb8;
	[tilespmem:$0x1C100] =	vst v63  }
0x7d: {  	s1 =	simm.s32 $0xE900  }
0x7e: {  	[tilespmem:s1], [sflag:$0x2] =	stream.indirect_vreg.gather [hbm4b:s9+s2], $0x80, v3, vm0, $0xb8;
	[tilespmem:$0x1C100] =	vst v63  }
0x7f: {  	v3 =	vld [tilespmem:$0x90];
	_ =	sdelay $0x4  }
0x80: {  	v61 =	vshrl.u32 v3, $0x3  }
0x81: {  	v4 =	vmul.u32 $0x30, v61  }
0x82: {  	v3 =	vand.u32 $0x7, v3  }
0x83: {  	v3 =	vor.u32 v3, v4  }
0x84: {  	v4 =	vperm.xlane v3, v0;
	_ =	sdelay $0x1  }
0x85: {  	v4 =	vadd.s32 v1, v4;
	_ =	sdelay $0x3  }
0x86: {  	s13 =	simm.s32 $0xF100;
	v3 =	vperm.xlane v3, v2  }
0x87: {  	[tilespmem:s13], [sflag:$0x2] =	stream.indirect_vreg.gather [hbm4b:s3+s2], $0x80, v4, vm0, $0xb8;
	[tilespmem:$0x1C100] =	vst v63  }
0x88: {  	s14 =	simm.s32 $0xF900;
	v3 =	vadd.s32 v1, v3  }
0x89: {  	[tilespmem:s14], [sflag:$0x2] =	stream.indirect_vreg.gather [hbm4b:s8+s2], $0x80, v4, vm0, $0xb8;
	[tilespmem:$0x1C100] =	vst v63  }
0x8a: {  	s15 =	simm.s32 $0x10100  }
0x8b: {  	[tilespmem:s15], [sflag:$0x2] =	stream.indirect_vreg.gather [hbm4b:s9+s2], $0x80, v4, vm0, $0xb8;
	[tilespmem:$0x1C100] =	vst v63  }
0x8c: {  	s31 =	simm.s32 $0x10900  }
0x8d: {  	[tilespmem:s31], [sflag:$0x2] =	stream.indirect_vreg.gather [hbm4b:s3+s2], $0x80, v3, vm0, $0xb8;
	[tilespmem:$0x1C100] =	vst v63  }
0x8e: {  	s1 =	simm.s32 $0x11100  }
0x8f: {  	[tilespmem:s1], [sflag:$0x2] =	stream.indirect_vreg.gather [hbm4b:s8+s2], $0x80, v3, vm0, $0xb8;
	[tilespmem:$0x1C100] =	vst v63  }
0x90: {  	s13 =	simm.s32 $0x11900  }
0x91: {  	[tilespmem:s13], [sflag:$0x2] =	stream.indirect_vreg.gather [hbm4b:s9+s2], $0x80, v3, vm0, $0xb8;
	[tilespmem:$0x1C100] =	vst v63  }
0x92: {  	v3 =	vld [tilespmem:$0xA0];
	_ =	sdelay $0x4  }
0x93: {  	v62 =	vshrl.u32 v3, $0x3  }
0x94: {  	v4 =	vmul.u32 $0x30, v62  }
0x95: {  	v3 =	vand.u32 $0x7, v3  }
0x96: {  	v3 =	vor.u32 v3, v4  }
0x97: {  	v4 =	vperm.xlane v3, v0;
	_ =	sdelay $0x1  }
0x98: {  	v4 =	vadd.s32 v1, v4;
	_ =	sdelay $0x3  }
0x99: {  	s14 =	simm.s32 $0x12100;
	v3 =	vperm.xlane v3, v2  }
0x9a: {  	[tilespmem:s14], [sflag:$0x2] =	stream.indirect_vreg.gather [hbm4b:s3+s2], $0x80, v4, vm0, $0xb8;
	[tilespmem:$0x1C100] =	vst v63  }
0x9b: {  	s15 =	simm.s32 $0x12900;
	v3 =	vadd.s32 v1, v3  }
0x9c: {  	[tilespmem:s15], [sflag:$0x2] =	stream.indirect_vreg.gather [hbm4b:s8+s2], $0x80, v4, vm0, $0xb8;
	[tilespmem:$0x1C100] =	vst v63  }
0x9d: {  	s31 =	simm.s32 $0x13100  }
0x9e: {  	[tilespmem:s31], [sflag:$0x2] =	stream.indirect_vreg.gather [hbm4b:s9+s2], $0x80, v4, vm0, $0xb8;
	[tilespmem:$0x1C100] =	vst v63  }
0x9f: {  	_ = 	snop  }
0xa0: {  	[tilespmem:s17], [sflag:$0x2] =	stream.indirect_vreg.gather [hbm4b:s3+s2], $0x80, v3, vm0, $0xb8;
	[tilespmem:$0x1C100] =	vst v63  }
0xa1: {  	_ = 	snop  }
0xa2: {  	[tilespmem:s18], [sflag:$0x2] =	stream.indirect_vreg.gather [hbm4b:s8+s2], $0x80, v3, vm0, $0xb8;
	[tilespmem:$0x1C100] =	vst v63  }
0xa3: {  	_ = 	snop  }
0xa4: {  	[tilespmem:s19], [sflag:$0x2] =	stream.indirect_vreg.gather [hbm4b:s9+s2], $0x80, v3, vm0, $0xb8;
	[tilespmem:$0x1C100] =	vst v63  }
0xa5: {  	v3 =	vld [tilespmem:$0xB0];
	_ =	sdelay $0x4  }
0xa6: {  	v63 =	vshrl.u32 v3, $0x3  }
0xa7: {  	v4 =	vmul.u32 $0x30, v63  }
0xa8: {  	v3 =	vand.u32 $0x7, v3  }
0xa9: {  	v3 =	vor.u32 v3, v4  }
0xaa: {  	v4 =	vperm.xlane v3, v0;
	_ =	sdelay $0x1  }
0xab: {  	v4 =	vadd.s32 v1, v4;
	_ =	sdelay $0x3  }
0xac: {  	v3 =	vperm.xlane v3, v2  }
0xad: {  	[tilespmem:s20], [sflag:$0x2] =	stream.indirect_vreg.gather [hbm4b:s3+s2], $0x80, v4, vm0, $0xb8;
	[tilespmem:$0x1C100] =	vst v63  }
0xae: {  	v3 =	vadd.s32 v1, v3  }
0xaf: {  	[tilespmem:s21], [sflag:$0x2] =	stream.indirect_vreg.gather [hbm4b:s8+s2], $0x80, v4, vm0, $0xb8;
	[tilespmem:$0x1C100] =	vst v63  }
0xb0: {  	_ = 	snop  }
0xb1: {  	[tilespmem:s22], [sflag:$0x2] =	stream.indirect_vreg.gather [hbm4b:s9+s2], $0x80, v4, vm0, $0xb8;
	[tilespmem:$0x1C100] =	vst v63  }
0xb2: {  	_ = 	snop  }
0xb3: {  	[tilespmem:s23], [sflag:$0x2] =	stream.indirect_vreg.gather [hbm4b:s3+s2], $0x80, v3, vm0, $0xb8;
	[tilespmem:$0x1C100] =	vst v63  }
0xb4: {  	_ = 	snop  }
0xb5: {  	[tilespmem:s24], [sflag:$0x2] =	stream.indirect_vreg.gather [hbm4b:s8+s2], $0x80, v3, vm0, $0xb8;
	[tilespmem:$0x1C100] =	vst v63  }
0xb6: {  	_ = 	snop  }
0xb7: {  	[tilespmem:s25], [sflag:$0x2] =	stream.indirect_vreg.gather [hbm4b:s9+s2], $0x80, v3, vm0, $0xb8;
	[tilespmem:$0x1C100] =	vst v63  }
0xb8: {  	_ =	swait.ge [sflag:s26], $0xC000  }
0xb9: {  	[sflag:s26] =	ssyncset.done $0x0  }
0xba: {  	[sflag:s26] =	ssyncadd.s32 $0xFFFF4000  }
0xbb: {  	_ =	swait.ge [sflag:s28], $0xC000  }
0xbc: {  	[sflag:s28] =	ssyncset.done $0x0  }
0xbd: {  	s30 =	simm.s32 $0x0;
	[sflag:s28] =	ssyncadd.s32 $0xFFFF4000  }
.LBB2_2:
0xbe: {  	s0 =	sshrl.u32 s30, $0x3  }
0xbf: {  	s1 =	sshll.u32 s30, $0x7;
	s0 =	smul.u32 $0x1800, s0  }
0xc0: {  	s14 =	simm.s32 $0x0;
	s13 =	sand.u32 $0x380, s1  }
0xc1: {  	s31 =	sor.u32 s13, s0;
	s13 =	sand.u32 $0x1C00, s14  }
0xc2: {  	v3 =	vld [tilespmem:s1+$0x18100];
	s15 =	sand.u32 $0x70, s14;
	s0 =	sadd.s32 s31, s13  }
0xc3: {  	v4 =	vld [tilespmem:s1+$0x1A100];
	s0 =	sor.u32 s15, s0  }
0xc4: {  	v5 =	vld [tilespmem:s0+$0xC100]  }
0xc5: {  	v6 =	vld [tilespmem:s0+$0x100];
	_ =	sdelay $0x4  }
0xc6: {  	s1 =	simm.s32 $0x80;
	v6 =	vmul.f32 v6, v3;
	v5 =	vmul.f32 v5, v4  }
0xc7: {  	s14 =	simm.s32 $0x10;
	s15 =	sand.u32 $0x1C00, s1  }
0xc8: {  	s14 =	sand.u32 $0x70, s14;
	s13 =	simm.s32 $0x20;
	s15 =	sadd.s32 s31, s15;
	v5 =	vadd.f32 v5, v6  }
.LBB2_3:
0xc9: {  	p0 =	sne.s32 s13, $0x2F0;
	s14 =	sor.u32 s14, s15  }
0xca: {  	v6 =	vld [tilespmem:s14+$0xC100];
	[tilespmem:s0+$0x100] =	vst v5;
	s0 =	smov.u32 s14  }
0xcb: {  	v5 =	vld [tilespmem:s0+$0x100];
	_ =	sdelay $0x2  }
.Ltmp0:
0xcc: {  	(pc) =	sbr.rel @p0 .LBB2_3-.Ltmp0, $4  }
0xcd: {  	_ = 	snop  }
0xce: {  	s1 =	sadd.s32 $0x80, s1;
	v6 =	vmul.f32 v6, v4;
	v5 =	vmul.f32 v5, v3  }
0xcf: {  	s15 =	sand.u32 $0x1C00, s1  }
0xd0: {  	s14 =	sand.u32 $0x70, s13;
	s13 =	sadd.s32 $0x10, s13;
	s15 =	sadd.s32 s31, s15;
	v5 =	vadd.f32 v6, v5  }
0xd1: {  	s1 =	sor.u32 s14, s15  }
0xd2: {  	v6 =	vld [tilespmem:s1+$0xC100];
	[tilespmem:s0+$0x100] =	vst v5  }
0xd3: {  	v5 =	vld [tilespmem:s1+$0x100];
	_ =	sdelay $0x2  }
0xd4: {  	s30 =	sadd.s32 $0x1, s30  }
0xd5: {  	p0 =	sne.s32 s30, $0x40  }
.Ltmp1:
0xd6: {  	v4 =	vmul.f32 v6, v4;
	v3 =	vmul.f32 v5, v3;
	(pc) =	sbr.rel @p0 .LBB2_2-.Ltmp1, $3  }
0xd7: {  	_ = 	snop  }
0xd8: {  	v3 =	vadd.f32 v4, v3;
	_ =	sdelay $0x1  }
0xd9: {  	[tilespmem:s1+$0x100] =	vst v3  }
0xda: {  	s29 =	sadd.s32 $0x1, s29  }
0xdb: {  	p0 =	sne.s32 s29, s11  }
.Ltmp2:
0xdc: {  	_ = 	snop;
	(pc) =	sbr.rel @p0 .LBB2_1-.Ltmp2, $4  }
0xdd: {  	[hbm4b:s10+s2] =	stream.linear.scatter [tilespmem:s16], [sflag:$0x3], $0xC000, $0x38;
	[tilespmem:$0x1C100] =	vst v63  }
0xde: {  	_ =	swait.ge [sflag:s12], $0xC000  }
0xdf: {  	[sflag:s12] =	ssyncset.done $0x0  }
0xe0: {  	[sflag:s12] =	ssyncadd.s32 $0xFFFF4000  }
0xe1: {  	_ =	sfence.sel $0x180000  }
0xe2: {  	[bflag:$0x0] =	sbarrier.arrive $0xFFFF  }
0xe3: {  	_ =	strace $0x9000004A  }
0xe4: {  	s0 =	stileid.u32;
	[bflag:$0x2] =	sbarrier.arrive $0xFFFF  }
0xe5: {  	p0 =	sne.s32 s0, $0x0;
	s0 =	rddreg [dreg:$0x2]  }
0xe6: {  	s0 =	sadd.s32 @!p0 $0x100000, s0  }
0xe7: {  	[sflag:s0] =	ssyncadd.tile.s32 @!p0 $0x1;
	_ =	shalt  }
.Lfunc_end2:
_tile_overlayer_lowered:
.L_overlay_start_2:
0xe8: {  	(tag) =	ssettag $0x2  }
0xe9: {  	s0 =	rddreg [dreg:$0x0];
	s2 =	stileid.u32  }
0xea: {  	s1 =	rddreg [dreg:$0x1];
	p0 =	sne.s32 s2, $0x0  }
0xeb: {  	s3 =	rddreg [dreg:$0x2];
	[bflag:$0x3] =	sbarrier.arrive $0xFFFF;
	s2 =	simm.s32 @!p0 $0x1C03  }
0xec: {  	[timem:s3], [sflag:s2] =	dma.local @!p0 [hbm:s0], s1  }
0xed: {  	s0 =	simm.s32 @!p0 $0x3  }
0xee: {  	_ =	swait.ge @!p0 [sflag:s0], s1  }
0xef: {  	s1 =	ssub.s32 @!p0 $0x0, s1;
	[sflag:s0] =	ssyncset.done @!p0 $0x0  }
0xf0: {  	[sflag:s0] =	ssyncadd.s32 @!p0 s1  }
0xf1: {  	[bflag:$0x3] =	sbarrier.arrive $0xFFFF  }
0xf2: {  	_ =	shalt  }

</sc_bundles>
